<compile_context>
chip_gen: v7x
topology: tpu7x:2x2x1
jax: 0.10.2.dev20260603
libtpu: 0.0.44.dev20260713+nightly
codegen_flags: <defaults>
</compile_context>

<pallas_src>
import functools
import math

import jax
import jax.numpy as jnp
from jax import lax
from jax.experimental import pallas as pl
from jax.experimental.pallas import tpu as pltpu
from jax.experimental.pallas import tpu_sc as plsc

D_MODEL = 64
LANES = 16
NUM_CORES = 2
NUM_SUBCORES = 16
NUM_WORKERS = NUM_CORES * NUM_SUBCORES
CHUNK = 128
NBUF = 5


def _emb_body(toks_per_w, scale, x_hbm, table_hbm, out_hbm, idx_v, raw_v,
              scl_v, gsem, osem):
  cid = lax.axis_index("c")
  sid = lax.axis_index("s")
  wid = sid * NUM_CORES + cid
  tok0 = wid * toks_per_w

  pltpu.sync_copy(x_hbm.at[pl.ds(tok0, toks_per_w)], idx_v)

  def gather_start(c, b):
    pltpu.async_copy(table_hbm.at[idx_v.at[pl.ds(c * CHUNK, CHUNK)]],
                     raw_v.at[b], gsem.at[b])

  def gather_wait(b):
    pltpu.make_async_copy(table_hbm.at[idx_v.at[pl.ds(0, CHUNK)]],
                          raw_v.at[b], gsem.at[b]).wait()

  def out_start(c, b):
    pltpu.async_copy(scl_v.at[b],
                     out_hbm.at[pl.ds(tok0 + c * CHUNK, CHUNK),
                                pl.ds(0, D_MODEL)], osem.at[b])

  def out_wait(b):
    pltpu.make_async_copy(scl_v.at[b],
                          out_hbm.at[pl.ds(0, CHUNK), pl.ds(0, D_MODEL)],
                          osem.at[b]).wait()

  for b in range(NBUF):
    gather_start(jnp.int32(b), b)

  def group(g, carry):
    for b in range(NBUF):
      c = g * NBUF + b
      gather_wait(b)

      @pl.when(g > 0)
      def _():
        out_wait(b)

      @plsc.parallel_loop(0, CHUNK, unroll=8)
      def _(r):
        for j in range(D_MODEL // LANES):
          sl = pl.ds(j * LANES, LANES)
          scl_v[b, r, sl] = raw_v[b, r, sl] * scale

      out_start(c, b)

      @pl.when(c + NBUF < toks_per_w // CHUNK)
      def _():
        gather_start(c + NBUF, b)

    return carry

  lax.fori_loop(0, toks_per_w // (CHUNK * NBUF), group, 0)

  for b in range(NBUF):
    out_wait(b)


def kernel(x, table):
  bsz, seq = x.shape
  vocab, d = table.shape
  assert d == D_MODEL
  n_tok = bsz * seq
  assert n_tok % (NUM_WORKERS * CHUNK * NBUF) == 0
  toks_per_w = n_tok // NUM_WORKERS

  scale = jnp.float32(math.sqrt(d))

  mesh = plsc.VectorSubcoreMesh(
      core_axis_name="c", subcore_axis_name="s",
      num_cores=NUM_CORES, num_subcores=NUM_SUBCORES)

  o2 = pl.kernel(
      functools.partial(_emb_body, toks_per_w, scale),
      out_type=jax.ShapeDtypeStruct((n_tok, 2 * d), jnp.float32),
      mesh=mesh,
      compiler_params=pltpu.CompilerParams(use_tc_tiling_on_sc=False),
      scratch_types=[
          pltpu.VMEM((toks_per_w,), jnp.int32),
          pltpu.VMEM((NBUF, CHUNK, d), jnp.float32),
          pltpu.VMEM((NBUF, CHUNK, d), jnp.float32),
          pltpu.SemaphoreType.DMA((NBUF,)),
          pltpu.SemaphoreType.DMA((NBUF,)),
      ],
  )(x.reshape(-1).astype(jnp.int32), table)

  return o2[:, :d].reshape(bsz, seq, d)

# --- scband reference (transcript-rebuilt; emitter-appended) ---
"""Pipeline reference for scband-token-embedding-27530740367686 (READ-ONLY COPY).

The authoritative reference and input builder live on the scoring server;
editing this copy changes nothing except your own understanding.
"""

import jax, jax.numpy as jnp
import numpy as np
import math

VOCAB = 1000000
D_MODEL = 64
PAD_IDX = 0

def setup_inputs(seed: int = 0) -> dict:
    key = jax.random.key(seed)
    k1, k2 = jax.random.split(key)
    x = jax.random.randint(k1, (4096, 200), 0, VOCAB, dtype=jnp.int64 if jax.config.jax_enable_x64 else jnp.int32)
    table = jax.random.normal(k2, (VOCAB, D_MODEL), dtype=jnp.float32) * (D_MODEL ** -0.5)
    table = table.at[PAD_IDX].set(0.0)
    return {"x": x, "table": table}

def reference(x, table):
    emb = jnp.take(table, x, axis=0)
    emb = emb * math.sqrt(D_MODEL)
    return emb

if __name__ == "__main__":
    import jax
    _d = setup_inputs()
    print(jax.jit(kernel)(*tuple(_d.values())))

</pallas_src>

<mosaic_0001>
#map = affine_map<(d0, d1) -> (0)>
#map1 = affine_map<(d0, d1) -> (0, 0)>
module attributes {stable_mosaic.version = 14 : i64} {
  func.func @_rewritten_body(%arg0: i32, %arg1: i32, %arg2: memref<819200xi32, #tpu.memory_space<hbm>>, %arg3: memref<1000000x64xf32, #tpu.memory_space<hbm>>, %arg4: memref<1xf32, #tpu.memory_space<hbm>>, %arg5: memref<819200x128xf32, #tpu.memory_space<hbm>>, %arg6: memref<25600xi32, #tpu.memory_space<vmem>>, %arg7: memref<5x128x64xf32, #tpu.memory_space<vmem>>, %arg8: memref<5x128x64xf32, #tpu.memory_space<vmem>>, %arg9: memref<5x!tpu.dma_semaphore, #tpu.memory_space<semaphore_mem>>, %arg10: memref<5x!tpu.dma_semaphore, #tpu.memory_space<semaphore_mem>>) attributes {dimension_semantics = [#tpu.dimension_semantics<core_parallel>, #tpu.dimension_semantics<subcore_parallel>], iteration_bounds = array<i64: 2, 16>, scalar_prefetch = 0 : i64, scratch_operands = 5 : i64, tpu.core_type = #tpu.core_type<sc_vector_subcore>, window_params = [{transform_indices = #map}, {transform_indices = #map1}, {transform_indices = #map}, {transform_indices = #map1}]} {
    %empty_ref3A = memref.alloca() : memref<16xf32, #tpu.memory_space<vmem>>
    "tpu.region"() ({
      %run_scoped3A = tpu.sem_alloc : memref<!tpu.dma_semaphore, #tpu.memory_space<semaphore_mem>>
      %dma_start3A_173 = arith.constant 0 : i32
      %dma_start3A_174 = tpu.memref_slice %empty_ref3A[%dma_start3A_173] : memref<16xf32, #tpu.memory_space<vmem>> -> memref<1xf32, #tpu.memory_space<vmem>>
      %dma_start3A_175 = arith.constant 0 : i32
      %dma_start3A_176 = tpu.memref_slice %empty_ref3A[%dma_start3A_175] : memref<16xf32, #tpu.memory_space<vmem>> -> memref<1xf32, #tpu.memory_space<vmem>>
      tpu.enqueue_dma source(%arg4 : memref<1xf32, #tpu.memory_space<hbm>>) target(%dma_start3A_176 : memref<1xf32, #tpu.memory_space<vmem>>) target_semaphore(%run_scoped3A : memref<!tpu.dma_semaphore, #tpu.memory_space<semaphore_mem>>)
      %dma_wait3A_177 = arith.constant 0 : i32
      %dma_wait3A_178 = tpu.memref_slice %empty_ref3A[%dma_wait3A_177] : memref<16xf32, #tpu.memory_space<vmem>> -> memref<1xf32, #tpu.memory_space<vmem>>
      %dma_wait3A_179 = arith.constant 0 : i32
      %dma_wait3A_180 = tpu.memref_slice %empty_ref3A[%dma_wait3A_179] : memref<16xf32, #tpu.memory_space<vmem>> -> memref<1xf32, #tpu.memory_space<vmem>>
      tpu.wait_dma2 semaphore(%run_scoped3A : memref<!tpu.dma_semaphore, #tpu.memory_space<semaphore_mem>>) src(%arg4 : memref<1xf32, #tpu.memory_space<hbm>>) dst(%dma_wait3A_180 : memref<1xf32, #tpu.memory_space<vmem>>)
      tpu.yield
    }) : () -> ()
    %get3A = arith.constant 0 : index
    %get3A_0 = tpu.vector_load %empty_ref3A[%get3A] {strides = array<i32>} : memref<16xf32, #tpu.memory_space<vmem>>, vector<16xf32>,
    %get3A_1 = vector.shape_cast %get3A_0 : vector<16xf32> to vector<16xf32>
    %slice3A = vector.extract_strided_slice %get3A_1 {offsets = [0], sizes = [1], strides = [1]} : vector<16xf32> to vector<1xf32>
    %squeeze3A = vector.extract %slice3A[0] : f32 from vector<1xf32>
    %mul3A = arith.constant 2 : i32
    %mul3A_2 = arith.muli %arg1, %mul3A : i32
    %add3A = arith.addi %mul3A_2, %arg0 : i32
    %mul3A_3 = arith.constant 25600 : i32
    %mul3A_4 = arith.muli %add3A, %mul3A_3 : i32
    "tpu.region"() ({
      %run_scoped3A = tpu.sem_alloc : memref<!tpu.dma_semaphore, #tpu.memory_space<semaphore_mem>>
      %dma_start3A_173 = tpu.memref_slice %arg2[%mul3A_4] : memref<819200xi32, #tpu.memory_space<hbm>> -> memref<25600xi32, #tpu.memory_space<hbm>>
      %dma_start3A_174 = tpu.memref_slice %arg2[%mul3A_4] : memref<819200xi32, #tpu.memory_space<hbm>> -> memref<25600xi32, #tpu.memory_space<hbm>>
      tpu.enqueue_dma source(%dma_start3A_174 : memref<25600xi32, #tpu.memory_space<hbm>>) target(%arg6 : memref<25600xi32, #tpu.memory_space<vmem>>) target_semaphore(%run_scoped3A : memref<!tpu.dma_semaphore, #tpu.memory_space<semaphore_mem>>)
      %dma_wait3A_175 = tpu.memref_slice %arg2[%mul3A_4] : memref<819200xi32, #tpu.memory_space<hbm>> -> memref<25600xi32, #tpu.memory_space<hbm>>
      %dma_wait3A_176 = tpu.memref_slice %arg2[%mul3A_4] : memref<819200xi32, #tpu.memory_space<hbm>> -> memref<25600xi32, #tpu.memory_space<hbm>>
      tpu.wait_dma2 semaphore(%run_scoped3A : memref<!tpu.dma_semaphore, #tpu.memory_space<semaphore_mem>>) src(%dma_wait3A_176 : memref<25600xi32, #tpu.memory_space<hbm>>) dst(%arg6 : memref<25600xi32, #tpu.memory_space<vmem>>)
      tpu.yield
    }) : () -> ()
    %mul3A_5 = arith.constant 0 : i32
    %mul3A_6 = arith.constant 128 : i32
    %mul3A_7 = arith.muli %mul3A_5, %mul3A_6 : i32
    %dma_start3A = arith.constant 0 : i32
    %dma_start3A_8 = arith.constant 0 : i32
    %dma_start3A_9 = arith.constant 0 : i32
    %dma_start3A_10 = arith.constant 0 : i32
    %dma_start3A_11 = tpu.memref_slice %arg7[%dma_start3A, %dma_start3A_9, %dma_start3A_10] : memref<5x128x64xf32, #tpu.memory_space<vmem>> -> memref<1x128x64xf32, #tpu.memory_space<vmem>>
    %dma_start3A_12 = tpu.memref_squeeze %dma_start3A_11 : memref<1x128x64xf32, #tpu.memory_space<vmem>> -> memref<128x64xf32, #tpu.memory_space<vmem>>
    %dma_start3A_13 = tpu.memref_slice %arg6[%mul3A_7] : memref<25600xi32, #tpu.memory_space<vmem>> -> memref<128xi32, #tpu.memory_space<vmem>>
    %dma_start3A_14 = arith.constant 0 : i32
    %dma_start3A_15 = arith.constant 0 : i32
    %dma_start3A_16 = tpu.memref_slice %arg3[%dma_start3A_14, %dma_start3A_15] : memref<1000000x64xf32, #tpu.memory_space<hbm>> -> memref<1000000x64xf32, #tpu.memory_space<hbm>>
    %dma_start3A_17 = tpu.memref_slice %arg9[%dma_start3A_8] : memref<5x!tpu.dma_semaphore, #tpu.memory_space<semaphore_mem>> -> memref<1x!tpu.dma_semaphore, #tpu.memory_space<semaphore_mem>>
    %dma_start3A_18 = tpu.memref_squeeze %dma_start3A_17 : memref<1x!tpu.dma_semaphore, #tpu.memory_space<semaphore_mem>> -> memref<!tpu.dma_semaphore, #tpu.memory_space<semaphore_mem>>
    tpu.enqueue_indirect_dma source(%dma_start3A_16 : memref<1000000x64xf32, #tpu.memory_space<hbm>>) target(%dma_start3A_12 : memref<128x64xf32, #tpu.memory_space<vmem>>) offsets(%dma_start3A_13 : memref<128xi32, #tpu.memory_space<vmem>>) semaphore(%dma_start3A_18 : memref<!tpu.dma_semaphore, #tpu.memory_space<semaphore_mem>>)
    %mul3A_19 = arith.constant 1 : i32
    %mul3A_20 = arith.constant 128 : i32
    %mul3A_21 = arith.muli %mul3A_19, %mul3A_20 : i32
    %dma_start3A_22 = arith.constant 1 : i32
    %dma_start3A_23 = arith.constant 1 : i32
    %dma_start3A_24 = arith.constant 0 : i32
    %dma_start3A_25 = arith.constant 0 : i32
    %dma_start3A_26 = tpu.memref_slice %arg7[%dma_start3A_22, %dma_start3A_24, %dma_start3A_25] : memref<5x128x64xf32, #tpu.memory_space<vmem>> -> memref<1x128x64xf32, #tpu.memory_space<vmem>>
    %dma_start3A_27 = tpu.memref_squeeze %dma_start3A_26 : memref<1x128x64xf32, #tpu.memory_space<vmem>> -> memref<128x64xf32, #tpu.memory_space<vmem>>
    %dma_start3A_28 = tpu.memref_slice %arg6[%mul3A_21] : memref<25600xi32, #tpu.memory_space<vmem>> -> memref<128xi32, #tpu.memory_space<vmem>>
    %dma_start3A_29 = arith.constant 0 : i32
    %dma_start3A_30 = arith.constant 0 : i32
    %dma_start3A_31 = tpu.memref_slice %arg3[%dma_start3A_29, %dma_start3A_30] : memref<1000000x64xf32, #tpu.memory_space<hbm>> -> memref<1000000x64xf32, #tpu.memory_space<hbm>>
    %dma_start3A_32 = tpu.memref_slice %arg9[%dma_start3A_23] : memref<5x!tpu.dma_semaphore, #tpu.memory_space<semaphore_mem>> -> memref<1x!tpu.dma_semaphore, #tpu.memory_space<semaphore_mem>>
    %dma_start3A_33 = tpu.memref_squeeze %dma_start3A_32 : memref<1x!tpu.dma_semaphore, #tpu.memory_space<semaphore_mem>> -> memref<!tpu.dma_semaphore, #tpu.memory_space<semaphore_mem>>
    tpu.enqueue_indirect_dma source(%dma_start3A_31 : memref<1000000x64xf32, #tpu.memory_space<hbm>>) target(%dma_start3A_27 : memref<128x64xf32, #tpu.memory_space<vmem>>) offsets(%dma_start3A_28 : memref<128xi32, #tpu.memory_space<vmem>>) semaphore(%dma_start3A_33 : memref<!tpu.dma_semaphore, #tpu.memory_space<semaphore_mem>>)
    %mul3A_34 = arith.constant 2 : i32
    %mul3A_35 = arith.constant 128 : i32
    %mul3A_36 = arith.muli %mul3A_34, %mul3A_35 : i32
    %dma_start3A_37 = arith.constant 2 : i32
    %dma_start3A_38 = arith.constant 2 : i32
    %dma_start3A_39 = arith.constant 0 : i32
    %dma_start3A_40 = arith.constant 0 : i32
    %dma_start3A_41 = tpu.memref_slice %arg7[%dma_start3A_37, %dma_start3A_39, %dma_start3A_40] : memref<5x128x64xf32, #tpu.memory_space<vmem>> -> memref<1x128x64xf32, #tpu.memory_space<vmem>>
    %dma_start3A_42 = tpu.memref_squeeze %dma_start3A_41 : memref<1x128x64xf32, #tpu.memory_space<vmem>> -> memref<128x64xf32, #tpu.memory_space<vmem>>
    %dma_start3A_43 = tpu.memref_slice %arg6[%mul3A_36] : memref<25600xi32, #tpu.memory_space<vmem>> -> memref<128xi32, #tpu.memory_space<vmem>>
    %dma_start3A_44 = arith.constant 0 : i32
    %dma_start3A_45 = arith.constant 0 : i32
    %dma_start3A_46 = tpu.memref_slice %arg3[%dma_start3A_44, %dma_start3A_45] : memref<1000000x64xf32, #tpu.memory_space<hbm>> -> memref<1000000x64xf32, #tpu.memory_space<hbm>>
    %dma_start3A_47 = tpu.memref_slice %arg9[%dma_start3A_38] : memref<5x!tpu.dma_semaphore, #tpu.memory_space<semaphore_mem>> -> memref<1x!tpu.dma_semaphore, #tpu.memory_space<semaphore_mem>>
    %dma_start3A_48 = tpu.memref_squeeze %dma_start3A_47 : memref<1x!tpu.dma_semaphore, #tpu.memory_space<semaphore_mem>> -> memref<!tpu.dma_semaphore, #tpu.memory_space<semaphore_mem>>
    tpu.enqueue_indirect_dma source(%dma_start3A_46 : memref<1000000x64xf32, #tpu.memory_space<hbm>>) target(%dma_start3A_42 : memref<128x64xf32, #tpu.memory_space<vmem>>) offsets(%dma_start3A_43 : memref<128xi32, #tpu.memory_space<vmem>>) semaphore(%dma_start3A_48 : memref<!tpu.dma_semaphore, #tpu.memory_space<semaphore_mem>>)
    %mul3A_49 = arith.constant 3 : i32
    %mul3A_50 = arith.constant 128 : i32
    %mul3A_51 = arith.muli %mul3A_49, %mul3A_50 : i32
    %dma_start3A_52 = arith.constant 3 : i32
    %dma_start3A_53 = arith.constant 3 : i32
    %dma_start3A_54 = arith.constant 0 : i32
    %dma_start3A_55 = arith.constant 0 : i32
    %dma_start3A_56 = tpu.memref_slice %arg7[%dma_start3A_52, %dma_start3A_54, %dma_start3A_55] : memref<5x128x64xf32, #tpu.memory_space<vmem>> -> memref<1x128x64xf32, #tpu.memory_space<vmem>>
    %dma_start3A_57 = tpu.memref_squeeze %dma_start3A_56 : memref<1x128x64xf32, #tpu.memory_space<vmem>> -> memref<128x64xf32, #tpu.memory_space<vmem>>
    %dma_start3A_58 = tpu.memref_slice %arg6[%mul3A_51] : memref<25600xi32, #tpu.memory_space<vmem>> -> memref<128xi32, #tpu.memory_space<vmem>>
    %dma_start3A_59 = arith.constant 0 : i32
    %dma_start3A_60 = arith.constant 0 : i32
    %dma_start3A_61 = tpu.memref_slice %arg3[%dma_start3A_59, %dma_start3A_60] : memref<1000000x64xf32, #tpu.memory_space<hbm>> -> memref<1000000x64xf32, #tpu.memory_space<hbm>>
    %dma_start3A_62 = tpu.memref_slice %arg9[%dma_start3A_53] : memref<5x!tpu.dma_semaphore, #tpu.memory_space<semaphore_mem>> -> memref<1x!tpu.dma_semaphore, #tpu.memory_space<semaphore_mem>>
    %dma_start3A_63 = tpu.memref_squeeze %dma_start3A_62 : memref<1x!tpu.dma_semaphore, #tpu.memory_space<semaphore_mem>> -> memref<!tpu.dma_semaphore, #tpu.memory_space<semaphore_mem>>
    tpu.enqueue_indirect_dma source(%dma_start3A_61 : memref<1000000x64xf32, #tpu.memory_space<hbm>>) target(%dma_start3A_57 : memref<128x64xf32, #tpu.memory_space<vmem>>) offsets(%dma_start3A_58 : memref<128xi32, #tpu.memory_space<vmem>>) semaphore(%dma_start3A_63 : memref<!tpu.dma_semaphore, #tpu.memory_space<semaphore_mem>>)
    %mul3A_64 = arith.constant 4 : i32
    %mul3A_65 = arith.constant 128 : i32
    %mul3A_66 = arith.muli %mul3A_64, %mul3A_65 : i32
    %dma_start3A_67 = arith.constant 4 : i32
    %dma_start3A_68 = arith.constant 4 : i32
    %dma_start3A_69 = arith.constant 0 : i32
    %dma_start3A_70 = arith.constant 0 : i32
    %dma_start3A_71 = tpu.memref_slice %arg7[%dma_start3A_67, %dma_start3A_69, %dma_start3A_70] : memref<5x128x64xf32, #tpu.memory_space<vmem>> -> memref<1x128x64xf32, #tpu.memory_space<vmem>>
    %dma_start3A_72 = tpu.memref_squeeze %dma_start3A_71 : memref<1x128x64xf32, #tpu.memory_space<vmem>> -> memref<128x64xf32, #tpu.memory_space<vmem>>
    %dma_start3A_73 = tpu.memref_slice %arg6[%mul3A_66] : memref<25600xi32, #tpu.memory_space<vmem>> -> memref<128xi32, #tpu.memory_space<vmem>>
    %dma_start3A_74 = arith.constant 0 : i32
    %dma_start3A_75 = arith.constant 0 : i32
    %dma_start3A_76 = tpu.memref_slice %arg3[%dma_start3A_74, %dma_start3A_75] : memref<1000000x64xf32, #tpu.memory_space<hbm>> -> memref<1000000x64xf32, #tpu.memory_space<hbm>>
    %dma_start3A_77 = tpu.memref_slice %arg9[%dma_start3A_68] : memref<5x!tpu.dma_semaphore, #tpu.memory_space<semaphore_mem>> -> memref<1x!tpu.dma_semaphore, #tpu.memory_space<semaphore_mem>>
    %dma_start3A_78 = tpu.memref_squeeze %dma_start3A_77 : memref<1x!tpu.dma_semaphore, #tpu.memory_space<semaphore_mem>> -> memref<!tpu.dma_semaphore, #tpu.memory_space<semaphore_mem>>
    tpu.enqueue_indirect_dma source(%dma_start3A_76 : memref<1000000x64xf32, #tpu.memory_space<hbm>>) target(%dma_start3A_72 : memref<128x64xf32, #tpu.memory_space<vmem>>) offsets(%dma_start3A_73 : memref<128xi32, #tpu.memory_space<vmem>>) semaphore(%dma_start3A_78 : memref<!tpu.dma_semaphore, #tpu.memory_space<semaphore_mem>>)
    %scan3A = arith.constant 0 : i32
    %scan3A_79 = arith.constant 0 : i32
    %scan3A_80 = arith.constant 40 : i32
    %scan3A_81 = arith.addi %scan3A_79, %scan3A_80 : i32
    %scan3A_82 = arith.constant 1 : i32
    scf.for %scan3A_173 = %scan3A_79 to %scan3A_81 step %scan3A_82  : i32 {
      %mul3A_174 = arith.constant 5 : i32
      %mul3A_175 = arith.muli %scan3A_173, %mul3A_174 : i32
      %add3A_176 = arith.constant 0 : i32
      %add3A_177 = arith.addi %mul3A_175, %add3A_176 : i32
      %dma_wait3A_178 = arith.constant 0 : i32
      %dma_wait3A_179 = arith.constant 0 : i32
      %dma_wait3A_180 = arith.constant 0 : i32
      %dma_wait3A_181 = arith.constant 0 : i32
      %dma_wait3A_182 = tpu.memref_slice %arg7[%dma_wait3A_178, %dma_wait3A_180, %dma_wait3A_181] : memref<5x128x64xf32, #tpu.memory_space<vmem>> -> memref<1x128x64xf32, #tpu.memory_space<vmem>>
      %dma_wait3A_183 = tpu.memref_squeeze %dma_wait3A_182 : memref<1x128x64xf32, #tpu.memory_space<vmem>> -> memref<128x64xf32, #tpu.memory_space<vmem>>
      %dma_wait3A_184 = arith.constant 0 : i32
      %dma_wait3A_185 = tpu.memref_slice %arg6[%dma_wait3A_184] : memref<25600xi32, #tpu.memory_space<vmem>> -> memref<128xi32, #tpu.memory_space<vmem>>
      %dma_wait3A_186 = arith.constant 0 : i32
      %dma_wait3A_187 = arith.constant 0 : i32
      %dma_wait3A_188 = tpu.memref_slice %arg3[%dma_wait3A_186, %dma_wait3A_187] : memref<1000000x64xf32, #tpu.memory_space<hbm>> -> memref<1000000x64xf32, #tpu.memory_space<hbm>>
      %dma_wait3A_189 = tpu.memref_slice %arg9[%dma_wait3A_179] : memref<5x!tpu.dma_semaphore, #tpu.memory_space<semaphore_mem>> -> memref<1x!tpu.dma_semaphore, #tpu.memory_space<semaphore_mem>>
      %dma_wait3A_190 = tpu.memref_squeeze %dma_wait3A_189 : memref<1x!tpu.dma_semaphore, #tpu.memory_space<semaphore_mem>> -> memref<!tpu.dma_semaphore, #tpu.memory_space<semaphore_mem>>
      tpu.wait_indirect_dma semaphore(%dma_wait3A_190 : memref<!tpu.dma_semaphore, #tpu.memory_space<semaphore_mem>>) src(%dma_wait3A_188 : memref<1000000x64xf32, #tpu.memory_space<hbm>>) dst(%dma_wait3A_183 : memref<128x64xf32, #tpu.memory_space<vmem>>)
      %gt3A = arith.constant 0 : i32
      %gt3A_191 = arith.cmpi sgt, %scan3A_173, %gt3A : i32
      %convert_element_type3A = arith.extui %gt3A_191 : i1 to i32
      %cond3A = arith.constant 0 : i32
      %cond3A_192 = arith.cmpi ne, %convert_element_type3A, %cond3A : i32
      scf.if %cond3A_192 {
        %dma_wait3A_424 = arith.constant 0 : i32
        %dma_wait3A_425 = arith.constant 0 : i32
        %dma_wait3A_426 = arith.constant 0 : i32
        %dma_wait3A_427 = arith.constant 0 : i32
        %dma_wait3A_428 = tpu.memref_slice %arg8[%dma_wait3A_424, %dma_wait3A_426, %dma_wait3A_427] : memref<5x128x64xf32, #tpu.memory_space<vmem>> -> memref<1x128x64xf32, #tpu.memory_space<vmem>>
        %dma_wait3A_429 = tpu.memref_squeeze %dma_wait3A_428 : memref<1x128x64xf32, #tpu.memory_space<vmem>> -> memref<128x64xf32, #tpu.memory_space<vmem>>
        %dma_wait3A_430 = arith.constant 0 : i32
        %dma_wait3A_431 = arith.constant 0 : i32
        %dma_wait3A_432 = tpu.memref_slice %arg5[%dma_wait3A_430, %dma_wait3A_431] : memref<819200x128xf32, #tpu.memory_space<hbm>> -> memref<128x64xf32, #tpu.memory_space<hbm>>
        %dma_wait3A_433 = tpu.memref_slice %arg10[%dma_wait3A_425] : memref<5x!tpu.dma_semaphore, #tpu.memory_space<semaphore_mem>> -> memref<1x!tpu.dma_semaphore, #tpu.memory_space<semaphore_mem>>
        %dma_wait3A_434 = tpu.memref_squeeze %dma_wait3A_433 : memref<1x!tpu.dma_semaphore, #tpu.memory_space<semaphore_mem>> -> memref<!tpu.dma_semaphore, #tpu.memory_space<semaphore_mem>>
        %dma_wait3A_435 = arith.constant 0 : i32
        %dma_wait3A_436 = arith.constant 0 : i32
        %dma_wait3A_437 = tpu.memref_slice %arg5[%dma_wait3A_435, %dma_wait3A_436] : memref<819200x128xf32, #tpu.memory_space<hbm>> -> memref<128x64xf32, #tpu.memory_space<hbm>>
        %dma_wait3A_438 = arith.constant 0 : i32
        %dma_wait3A_439 = arith.constant 0 : i32
        %dma_wait3A_440 = tpu.memref_slice %arg8[%dma_wait3A_424, %dma_wait3A_438, %dma_wait3A_439] : memref<5x128x64xf32, #tpu.memory_space<vmem>> -> memref<1x128x64xf32, #tpu.memory_space<vmem>>
        %dma_wait3A_441 = tpu.memref_squeeze %dma_wait3A_440 : memref<1x128x64xf32, #tpu.memory_space<vmem>> -> memref<128x64xf32, #tpu.memory_space<vmem>>
        tpu.wait_dma2 semaphore(%dma_wait3A_434 : memref<!tpu.dma_semaphore, #tpu.memory_space<semaphore_mem>>) src(%dma_wait3A_441 : memref<128x64xf32, #tpu.memory_space<vmem>>) dst(%dma_wait3A_437 : memref<128x64xf32, #tpu.memory_space<hbm>>)
      } else {
      }
      %parallel_loop3A = arith.constant 0 : i32
      %parallel_loop3A_193 = arith.constant 128 : i32
      %parallel_loop3A_194 = arith.constant 1 : i32
      scf.for %parallel_loop3A_424 = %parallel_loop3A to %parallel_loop3A_193 step %parallel_loop3A_194  : i32 {
        %parallel_loop3A_425 = arith.constant 0 : i32
        %parallel_loop3A_426 = arith.index_cast %parallel_loop3A_425 : i32 to index
        %parallel_loop3A_427 = arith.index_cast %parallel_loop3A_424 : i32 to index
        %parallel_loop3A_428 = arith.constant 0 : index
        %parallel_loop3A_429 = tpu.vector_load %arg7[%parallel_loop3A_426, %parallel_loop3A_427, %parallel_loop3A_428] {strides = array<i32>} : memref<5x128x64xf32, #tpu.memory_space<vmem>>, vector<1x1x16xf32>,
        %parallel_loop3A_430 = vector.shape_cast %parallel_loop3A_429 : vector<1x1x16xf32> to vector<16xf32>
        %parallel_loop3A_431 = vector.broadcast %squeeze3A : f32 to vector<16xf32>
        %parallel_loop3A_432 = arith.mulf %parallel_loop3A_430, %parallel_loop3A_431 : vector<16xf32>
        %parallel_loop3A_433 = arith.constant 0 : i32
        %parallel_loop3A_434 = arith.index_cast %parallel_loop3A_433 : i32 to index
        %parallel_loop3A_435 = arith.index_cast %parallel_loop3A_424 : i32 to index
        %parallel_loop3A_436 = arith.constant 0 : index
        %parallel_loop3A_437 = tpu.vector_load %arg8[%parallel_loop3A_434, %parallel_loop3A_435, %parallel_loop3A_436] {strides = array<i32>} : memref<5x128x64xf32, #tpu.memory_space<vmem>>, vector<1x1x16xf32>,
        %parallel_loop3A_438 = vector.shape_cast %parallel_loop3A_437 : vector<1x1x16xf32> to vector<16xf32>
        %parallel_loop3A_439 = vector.shape_cast %parallel_loop3A_432 : vector<16xf32> to vector<1x1x16xf32>
        tpu.vector_store %arg8[%parallel_loop3A_434, %parallel_loop3A_435, %parallel_loop3A_436], %parallel_loop3A_439 {strides = array<i32>} : memref<5x128x64xf32, #tpu.memory_space<vmem>>, vector<1x1x16xf32>,
        %parallel_loop3A_440 = arith.constant 0 : i32
        %parallel_loop3A_441 = arith.index_cast %parallel_loop3A_440 : i32 to index
        %parallel_loop3A_442 = arith.index_cast %parallel_loop3A_424 : i32 to index
        %parallel_loop3A_443 = arith.constant 16 : index
        %parallel_loop3A_444 = tpu.vector_load %arg7[%parallel_loop3A_441, %parallel_loop3A_442, %parallel_loop3A_443] {strides = array<i32>} : memref<5x128x64xf32, #tpu.memory_space<vmem>>, vector<1x1x16xf32>,
        %parallel_loop3A_445 = vector.shape_cast %parallel_loop3A_444 : vector<1x1x16xf32> to vector<16xf32>
        %parallel_loop3A_446 = vector.broadcast %squeeze3A : f32 to vector<16xf32>
        %parallel_loop3A_447 = arith.mulf %parallel_loop3A_445, %parallel_loop3A_446 : vector<16xf32>
        %parallel_loop3A_448 = arith.constant 0 : i32
        %parallel_loop3A_449 = arith.index_cast %parallel_loop3A_448 : i32 to index
        %parallel_loop3A_450 = arith.index_cast %parallel_loop3A_424 : i32 to index
        %parallel_loop3A_451 = arith.constant 16 : index
        %parallel_loop3A_452 = tpu.vector_load %arg8[%parallel_loop3A_449, %parallel_loop3A_450, %parallel_loop3A_451] {strides = array<i32>} : memref<5x128x64xf32, #tpu.memory_space<vmem>>, vector<1x1x16xf32>,
        %parallel_loop3A_453 = vector.shape_cast %parallel_loop3A_452 : vector<1x1x16xf32> to vector<16xf32>
        %parallel_loop3A_454 = vector.shape_cast %parallel_loop3A_447 : vector<16xf32> to vector<1x1x16xf32>
        tpu.vector_store %arg8[%parallel_loop3A_449, %parallel_loop3A_450, %parallel_loop3A_451], %parallel_loop3A_454 {strides = array<i32>} : memref<5x128x64xf32, #tpu.memory_space<vmem>>, vector<1x1x16xf32>,
        %parallel_loop3A_455 = arith.constant 0 : i32
        %parallel_loop3A_456 = arith.index_cast %parallel_loop3A_455 : i32 to index
        %parallel_loop3A_457 = arith.index_cast %parallel_loop3A_424 : i32 to index
        %parallel_loop3A_458 = arith.constant 32 : index
        %parallel_loop3A_459 = tpu.vector_load %arg7[%parallel_loop3A_456, %parallel_loop3A_457, %parallel_loop3A_458] {strides = array<i32>} : memref<5x128x64xf32, #tpu.memory_space<vmem>>, vector<1x1x16xf32>,
        %parallel_loop3A_460 = vector.shape_cast %parallel_loop3A_459 : vector<1x1x16xf32> to vector<16xf32>
        %parallel_loop3A_461 = vector.broadcast %squeeze3A : f32 to vector<16xf32>
        %parallel_loop3A_462 = arith.mulf %parallel_loop3A_460, %parallel_loop3A_461 : vector<16xf32>
        %parallel_loop3A_463 = arith.constant 0 : i32
        %parallel_loop3A_464 = arith.index_cast %parallel_loop3A_463 : i32 to index
        %parallel_loop3A_465 = arith.index_cast %parallel_loop3A_424 : i32 to index
        %parallel_loop3A_466 = arith.constant 32 : index
        %parallel_loop3A_467 = tpu.vector_load %arg8[%parallel_loop3A_464, %parallel_loop3A_465, %parallel_loop3A_466] {strides = array<i32>} : memref<5x128x64xf32, #tpu.memory_space<vmem>>, vector<1x1x16xf32>,
        %parallel_loop3A_468 = vector.shape_cast %parallel_loop3A_467 : vector<1x1x16xf32> to vector<16xf32>
        %parallel_loop3A_469 = vector.shape_cast %parallel_loop3A_462 : vector<16xf32> to vector<1x1x16xf32>
        tpu.vector_store %arg8[%parallel_loop3A_464, %parallel_loop3A_465, %parallel_loop3A_466], %parallel_loop3A_469 {strides = array<i32>} : memref<5x128x64xf32, #tpu.memory_space<vmem>>, vector<1x1x16xf32>,
        %parallel_loop3A_470 = arith.constant 0 : i32
        %parallel_loop3A_471 = arith.index_cast %parallel_loop3A_470 : i32 to index
        %parallel_loop3A_472 = arith.index_cast %parallel_loop3A_424 : i32 to index
        %parallel_loop3A_473 = arith.constant 48 : index
        %parallel_loop3A_474 = tpu.vector_load %arg7[%parallel_loop3A_471, %parallel_loop3A_472, %parallel_loop3A_473] {strides = array<i32>} : memref<5x128x64xf32, #tpu.memory_space<vmem>>, vector<1x1x16xf32>,
        %parallel_loop3A_475 = vector.shape_cast %parallel_loop3A_474 : vector<1x1x16xf32> to vector<16xf32>
        %parallel_loop3A_476 = vector.broadcast %squeeze3A : f32 to vector<16xf32>
        %parallel_loop3A_477 = arith.mulf %parallel_loop3A_475, %parallel_loop3A_476 : vector<16xf32>
        %parallel_loop3A_478 = arith.constant 0 : i32
        %parallel_loop3A_479 = arith.index_cast %parallel_loop3A_478 : i32 to index
        %parallel_loop3A_480 = arith.index_cast %parallel_loop3A_424 : i32 to index
        %parallel_loop3A_481 = arith.constant 48 : index
        %parallel_loop3A_482 = tpu.vector_load %arg8[%parallel_loop3A_479, %parallel_loop3A_480, %parallel_loop3A_481] {strides = array<i32>} : memref<5x128x64xf32, #tpu.memory_space<vmem>>, vector<1x1x16xf32>,
        %parallel_loop3A_483 = vector.shape_cast %parallel_loop3A_482 : vector<1x1x16xf32> to vector<16xf32>
        %parallel_loop3A_484 = vector.shape_cast %parallel_loop3A_477 : vector<16xf32> to vector<1x1x16xf32>
        tpu.vector_store %arg8[%parallel_loop3A_479, %parallel_loop3A_480, %parallel_loop3A_481], %parallel_loop3A_484 {strides = array<i32>} : memref<5x128x64xf32, #tpu.memory_space<vmem>>, vector<1x1x16xf32>,
      } {sc.loop_unroll_factor = 8 : i64, sc.parallel_access}
      %mul3A_195 = arith.constant 128 : i32
      %mul3A_196 = arith.muli %add3A_177, %mul3A_195 : i32
      %add3A_197 = arith.addi %mul3A_4, %mul3A_196 : i32
      %dma_start3A_198 = arith.constant 0 : i32
      %dma_start3A_199 = arith.constant 0 : i32
      %dma_start3A_200 = arith.constant 0 : i32
      %dma_start3A_201 = arith.constant 0 : i32
      %dma_start3A_202 = tpu.memref_slice %arg8[%dma_start3A_198, %dma_start3A_200, %dma_start3A_201] : memref<5x128x64xf32, #tpu.memory_space<vmem>> -> memref<1x128x64xf32, #tpu.memory_space<vmem>>
      %dma_start3A_203 = tpu.memref_squeeze %dma_start3A_202 : memref<1x128x64xf32, #tpu.memory_space<vmem>> -> memref<128x64xf32, #tpu.memory_space<vmem>>
      %dma_start3A_204 = arith.constant 0 : i32
      %dma_start3A_205 = tpu.memref_slice %arg5[%add3A_197, %dma_start3A_204] : memref<819200x128xf32, #tpu.memory_space<hbm>> -> memref<128x64xf32, #tpu.memory_space<hbm>>
      %dma_start3A_206 = tpu.memref_slice %arg10[%dma_start3A_199] : memref<5x!tpu.dma_semaphore, #tpu.memory_space<semaphore_mem>> -> memref<1x!tpu.dma_semaphore, #tpu.memory_space<semaphore_mem>>
      %dma_start3A_207 = tpu.memref_squeeze %dma_start3A_206 : memref<1x!tpu.dma_semaphore, #tpu.memory_space<semaphore_mem>> -> memref<!tpu.dma_semaphore, #tpu.memory_space<semaphore_mem>>
      %dma_start3A_208 = arith.constant 0 : i32
      %dma_start3A_209 = tpu.memref_slice %arg5[%add3A_197, %dma_start3A_208] : memref<819200x128xf32, #tpu.memory_space<hbm>> -> memref<128x64xf32, #tpu.memory_space<hbm>>
      %dma_start3A_210 = arith.constant 0 : i32
      %dma_start3A_211 = arith.constant 0 : i32
      %dma_start3A_212 = tpu.memref_slice %arg8[%dma_start3A_198, %dma_start3A_210, %dma_start3A_211] : memref<5x128x64xf32, #tpu.memory_space<vmem>> -> memref<1x128x64xf32, #tpu.memory_space<vmem>>
      %dma_start3A_213 = tpu.memref_squeeze %dma_start3A_212 : memref<1x128x64xf32, #tpu.memory_space<vmem>> -> memref<128x64xf32, #tpu.memory_space<vmem>>
      tpu.enqueue_dma source(%dma_start3A_213 : memref<128x64xf32, #tpu.memory_space<vmem>>) target(%dma_start3A_209 : memref<128x64xf32, #tpu.memory_space<hbm>>) target_semaphore(%dma_start3A_207 : memref<!tpu.dma_semaphore, #tpu.memory_space<semaphore_mem>>)
      %add3A_214 = arith.constant 5 : i32
      %add3A_215 = arith.addi %add3A_177, %add3A_214 : i32
      %lt3A = arith.constant 200 : i32
      %lt3A_216 = arith.cmpi slt, %add3A_215, %lt3A : i32
      %convert_element_type3A_217 = arith.extui %lt3A_216 : i1 to i32
      %cond3A_218 = arith.constant 0 : i32
      %cond3A_219 = arith.cmpi ne, %convert_element_type3A_217, %cond3A_218 : i32
      scf.if %cond3A_219 {
        %add3A_424 = arith.constant 5 : i32
        %add3A_425 = arith.addi %add3A_177, %add3A_424 : i32
        %mul3A_426 = arith.constant 128 : i32
        %mul3A_427 = arith.muli %add3A_425, %mul3A_426 : i32
        %dma_start3A_428 = arith.constant 0 : i32
        %dma_start3A_429 = arith.constant 0 : i32
        %dma_start3A_430 = arith.constant 0 : i32
        %dma_start3A_431 = arith.constant 0 : i32
        %dma_start3A_432 = tpu.memref_slice %arg7[%dma_start3A_428, %dma_start3A_430, %dma_start3A_431] : memref<5x128x64xf32, #tpu.memory_space<vmem>> -> memref<1x128x64xf32, #tpu.memory_space<vmem>>
        %dma_start3A_433 = tpu.memref_squeeze %dma_start3A_432 : memref<1x128x64xf32, #tpu.memory_space<vmem>> -> memref<128x64xf32, #tpu.memory_space<vmem>>
        %dma_start3A_434 = tpu.memref_slice %arg6[%mul3A_427] : memref<25600xi32, #tpu.memory_space<vmem>> -> memref<128xi32, #tpu.memory_space<vmem>>
        %dma_start3A_435 = arith.constant 0 : i32
        %dma_start3A_436 = arith.constant 0 : i32
        %dma_start3A_437 = tpu.memref_slice %arg3[%dma_start3A_435, %dma_start3A_436] : memref<1000000x64xf32, #tpu.memory_space<hbm>> -> memref<1000000x64xf32, #tpu.memory_space<hbm>>
        %dma_start3A_438 = tpu.memref_slice %arg9[%dma_start3A_429] : memref<5x!tpu.dma_semaphore, #tpu.memory_space<semaphore_mem>> -> memref<1x!tpu.dma_semaphore, #tpu.memory_space<semaphore_mem>>
        %dma_start3A_439 = tpu.memref_squeeze %dma_start3A_438 : memref<1x!tpu.dma_semaphore, #tpu.memory_space<semaphore_mem>> -> memref<!tpu.dma_semaphore, #tpu.memory_space<semaphore_mem>>
        tpu.enqueue_indirect_dma source(%dma_start3A_437 : memref<1000000x64xf32, #tpu.memory_space<hbm>>) target(%dma_start3A_433 : memref<128x64xf32, #tpu.memory_space<vmem>>) offsets(%dma_start3A_434 : memref<128xi32, #tpu.memory_space<vmem>>) semaphore(%dma_start3A_439 : memref<!tpu.dma_semaphore, #tpu.memory_space<semaphore_mem>>)
      } else {
      }
      %mul3A_220 = arith.constant 5 : i32
      %mul3A_221 = arith.muli %scan3A_173, %mul3A_220 : i32
      %add3A_222 = arith.constant 1 : i32
      %add3A_223 = arith.addi %mul3A_221, %add3A_222 : i32
      %dma_wait3A_224 = arith.constant 1 : i32
      %dma_wait3A_225 = arith.constant 1 : i32
      %dma_wait3A_226 = arith.constant 0 : i32
      %dma_wait3A_227 = arith.constant 0 : i32
      %dma_wait3A_228 = tpu.memref_slice %arg7[%dma_wait3A_224, %dma_wait3A_226, %dma_wait3A_227] : memref<5x128x64xf32, #tpu.memory_space<vmem>> -> memref<1x128x64xf32, #tpu.memory_space<vmem>>
      %dma_wait3A_229 = tpu.memref_squeeze %dma_wait3A_228 : memref<1x128x64xf32, #tpu.memory_space<vmem>> -> memref<128x64xf32, #tpu.memory_space<vmem>>
      %dma_wait3A_230 = arith.constant 0 : i32
      %dma_wait3A_231 = tpu.memref_slice %arg6[%dma_wait3A_230] : memref<25600xi32, #tpu.memory_space<vmem>> -> memref<128xi32, #tpu.memory_space<vmem>>
      %dma_wait3A_232 = arith.constant 0 : i32
      %dma_wait3A_233 = arith.constant 0 : i32
      %dma_wait3A_234 = tpu.memref_slice %arg3[%dma_wait3A_232, %dma_wait3A_233] : memref<1000000x64xf32, #tpu.memory_space<hbm>> -> memref<1000000x64xf32, #tpu.memory_space<hbm>>
      %dma_wait3A_235 = tpu.memref_slice %arg9[%dma_wait3A_225] : memref<5x!tpu.dma_semaphore, #tpu.memory_space<semaphore_mem>> -> memref<1x!tpu.dma_semaphore, #tpu.memory_space<semaphore_mem>>
      %dma_wait3A_236 = tpu.memref_squeeze %dma_wait3A_235 : memref<1x!tpu.dma_semaphore, #tpu.memory_space<semaphore_mem>> -> memref<!tpu.dma_semaphore, #tpu.memory_space<semaphore_mem>>
      tpu.wait_indirect_dma semaphore(%dma_wait3A_236 : memref<!tpu.dma_semaphore, #tpu.memory_space<semaphore_mem>>) src(%dma_wait3A_234 : memref<1000000x64xf32, #tpu.memory_space<hbm>>) dst(%dma_wait3A_229 : memref<128x64xf32, #tpu.memory_space<vmem>>)
      %gt3A_237 = arith.constant 0 : i32
      %gt3A_238 = arith.cmpi sgt, %scan3A_173, %gt3A_237 : i32
      %convert_element_type3A_239 = arith.extui %gt3A_238 : i1 to i32
      %cond3A_240 = arith.constant 0 : i32
      %cond3A_241 = arith.cmpi ne, %convert_element_type3A_239, %cond3A_240 : i32
      scf.if %cond3A_241 {
        %dma_wait3A_424 = arith.constant 1 : i32
        %dma_wait3A_425 = arith.constant 1 : i32
        %dma_wait3A_426 = arith.constant 0 : i32
        %dma_wait3A_427 = arith.constant 0 : i32
        %dma_wait3A_428 = tpu.memref_slice %arg8[%dma_wait3A_424, %dma_wait3A_426, %dma_wait3A_427] : memref<5x128x64xf32, #tpu.memory_space<vmem>> -> memref<1x128x64xf32, #tpu.memory_space<vmem>>
        %dma_wait3A_429 = tpu.memref_squeeze %dma_wait3A_428 : memref<1x128x64xf32, #tpu.memory_space<vmem>> -> memref<128x64xf32, #tpu.memory_space<vmem>>
        %dma_wait3A_430 = arith.constant 0 : i32
        %dma_wait3A_431 = arith.constant 0 : i32
        %dma_wait3A_432 = tpu.memref_slice %arg5[%dma_wait3A_430, %dma_wait3A_431] : memref<819200x128xf32, #tpu.memory_space<hbm>> -> memref<128x64xf32, #tpu.memory_space<hbm>>
        %dma_wait3A_433 = tpu.memref_slice %arg10[%dma_wait3A_425] : memref<5x!tpu.dma_semaphore, #tpu.memory_space<semaphore_mem>> -> memref<1x!tpu.dma_semaphore, #tpu.memory_space<semaphore_mem>>
        %dma_wait3A_434 = tpu.memref_squeeze %dma_wait3A_433 : memref<1x!tpu.dma_semaphore, #tpu.memory_space<semaphore_mem>> -> memref<!tpu.dma_semaphore, #tpu.memory_space<semaphore_mem>>
        %dma_wait3A_435 = arith.constant 0 : i32
        %dma_wait3A_436 = arith.constant 0 : i32
        %dma_wait3A_437 = tpu.memref_slice %arg5[%dma_wait3A_435, %dma_wait3A_436] : memref<819200x128xf32, #tpu.memory_space<hbm>> -> memref<128x64xf32, #tpu.memory_space<hbm>>
        %dma_wait3A_438 = arith.constant 0 : i32
        %dma_wait3A_439 = arith.constant 0 : i32
        %dma_wait3A_440 = tpu.memref_slice %arg8[%dma_wait3A_424, %dma_wait3A_438, %dma_wait3A_439] : memref<5x128x64xf32, #tpu.memory_space<vmem>> -> memref<1x128x64xf32, #tpu.memory_space<vmem>>
        %dma_wait3A_441 = tpu.memref_squeeze %dma_wait3A_440 : memref<1x128x64xf32, #tpu.memory_space<vmem>> -> memref<128x64xf32, #tpu.memory_space<vmem>>
        tpu.wait_dma2 semaphore(%dma_wait3A_434 : memref<!tpu.dma_semaphore, #tpu.memory_space<semaphore_mem>>) src(%dma_wait3A_441 : memref<128x64xf32, #tpu.memory_space<vmem>>) dst(%dma_wait3A_437 : memref<128x64xf32, #tpu.memory_space<hbm>>)
      } else {
      }
      %parallel_loop3A_242 = arith.constant 0 : i32
      %parallel_loop3A_243 = arith.constant 128 : i32
      %parallel_loop3A_244 = arith.constant 1 : i32
      scf.for %parallel_loop3A_424 = %parallel_loop3A_242 to %parallel_loop3A_243 step %parallel_loop3A_244  : i32 {
        %parallel_loop3A_425 = arith.constant 1 : i32
        %parallel_loop3A_426 = arith.index_cast %parallel_loop3A_425 : i32 to index
        %parallel_loop3A_427 = arith.index_cast %parallel_loop3A_424 : i32 to index
        %parallel_loop3A_428 = arith.constant 0 : index
        %parallel_loop3A_429 = tpu.vector_load %arg7[%parallel_loop3A_426, %parallel_loop3A_427, %parallel_loop3A_428] {strides = array<i32>} : memref<5x128x64xf32, #tpu.memory_space<vmem>>, vector<1x1x16xf32>,
        %parallel_loop3A_430 = vector.shape_cast %parallel_loop3A_429 : vector<1x1x16xf32> to vector<16xf32>
        %parallel_loop3A_431 = vector.broadcast %squeeze3A : f32 to vector<16xf32>
        %parallel_loop3A_432 = arith.mulf %parallel_loop3A_430, %parallel_loop3A_431 : vector<16xf32>
        %parallel_loop3A_433 = arith.constant 1 : i32
        %parallel_loop3A_434 = arith.index_cast %parallel_loop3A_433 : i32 to index
        %parallel_loop3A_435 = arith.index_cast %parallel_loop3A_424 : i32 to index
        %parallel_loop3A_436 = arith.constant 0 : index
        %parallel_loop3A_437 = tpu.vector_load %arg8[%parallel_loop3A_434, %parallel_loop3A_435, %parallel_loop3A_436] {strides = array<i32>} : memref<5x128x64xf32, #tpu.memory_space<vmem>>, vector<1x1x16xf32>,
        %parallel_loop3A_438 = vector.shape_cast %parallel_loop3A_437 : vector<1x1x16xf32> to vector<16xf32>
        %parallel_loop3A_439 = vector.shape_cast %parallel_loop3A_432 : vector<16xf32> to vector<1x1x16xf32>
        tpu.vector_store %arg8[%parallel_loop3A_434, %parallel_loop3A_435, %parallel_loop3A_436], %parallel_loop3A_439 {strides = array<i32>} : memref<5x128x64xf32, #tpu.memory_space<vmem>>, vector<1x1x16xf32>,
        %parallel_loop3A_440 = arith.constant 1 : i32
        %parallel_loop3A_441 = arith.index_cast %parallel_loop3A_440 : i32 to index
        %parallel_loop3A_442 = arith.index_cast %parallel_loop3A_424 : i32 to index
        %parallel_loop3A_443 = arith.constant 16 : index
        %parallel_loop3A_444 = tpu.vector_load %arg7[%parallel_loop3A_441, %parallel_loop3A_442, %parallel_loop3A_443] {strides = array<i32>} : memref<5x128x64xf32, #tpu.memory_space<vmem>>, vector<1x1x16xf32>,
        %parallel_loop3A_445 = vector.shape_cast %parallel_loop3A_444 : vector<1x1x16xf32> to vector<16xf32>
        %parallel_loop3A_446 = vector.broadcast %squeeze3A : f32 to vector<16xf32>
        %parallel_loop3A_447 = arith.mulf %parallel_loop3A_445, %parallel_loop3A_446 : vector<16xf32>
        %parallel_loop3A_448 = arith.constant 1 : i32
        %parallel_loop3A_449 = arith.index_cast %parallel_loop3A_448 : i32 to index
        %parallel_loop3A_450 = arith.index_cast %parallel_loop3A_424 : i32 to index
        %parallel_loop3A_451 = arith.constant 16 : index
        %parallel_loop3A_452 = tpu.vector_load %arg8[%parallel_loop3A_449, %parallel_loop3A_450, %parallel_loop3A_451] {strides = array<i32>} : memref<5x128x64xf32, #tpu.memory_space<vmem>>, vector<1x1x16xf32>,
        %parallel_loop3A_453 = vector.shape_cast %parallel_loop3A_452 : vector<1x1x16xf32> to vector<16xf32>
        %parallel_loop3A_454 = vector.shape_cast %parallel_loop3A_447 : vector<16xf32> to vector<1x1x16xf32>
        tpu.vector_store %arg8[%parallel_loop3A_449, %parallel_loop3A_450, %parallel_loop3A_451], %parallel_loop3A_454 {strides = array<i32>} : memref<5x128x64xf32, #tpu.memory_space<vmem>>, vector<1x1x16xf32>,
        %parallel_loop3A_455 = arith.constant 1 : i32
        %parallel_loop3A_456 = arith.index_cast %parallel_loop3A_455 : i32 to index
        %parallel_loop3A_457 = arith.index_cast %parallel_loop3A_424 : i32 to index
        %parallel_loop3A_458 = arith.constant 32 : index
        %parallel_loop3A_459 = tpu.vector_load %arg7[%parallel_loop3A_456, %parallel_loop3A_457, %parallel_loop3A_458] {strides = array<i32>} : memref<5x128x64xf32, #tpu.memory_space<vmem>>, vector<1x1x16xf32>,
        %parallel_loop3A_460 = vector.shape_cast %parallel_loop3A_459 : vector<1x1x16xf32> to vector<16xf32>
        %parallel_loop3A_461 = vector.broadcast %squeeze3A : f32 to vector<16xf32>
        %parallel_loop3A_462 = arith.mulf %parallel_loop3A_460, %parallel_loop3A_461 : vector<16xf32>
        %parallel_loop3A_463 = arith.constant 1 : i32
        %parallel_loop3A_464 = arith.index_cast %parallel_loop3A_463 : i32 to index
        %parallel_loop3A_465 = arith.index_cast %parallel_loop3A_424 : i32 to index
        %parallel_loop3A_466 = arith.constant 32 : index
        %parallel_loop3A_467 = tpu.vector_load %arg8[%parallel_loop3A_464, %parallel_loop3A_465, %parallel_loop3A_466] {strides = array<i32>} : memref<5x128x64xf32, #tpu.memory_space<vmem>>, vector<1x1x16xf32>,
        %parallel_loop3A_468 = vector.shape_cast %parallel_loop3A_467 : vector<1x1x16xf32> to vector<16xf32>
        %parallel_loop3A_469 = vector.shape_cast %parallel_loop3A_462 : vector<16xf32> to vector<1x1x16xf32>
        tpu.vector_store %arg8[%parallel_loop3A_464, %parallel_loop3A_465, %parallel_loop3A_466], %parallel_loop3A_469 {strides = array<i32>} : memref<5x128x64xf32, #tpu.memory_space<vmem>>, vector<1x1x16xf32>,
        %parallel_loop3A_470 = arith.constant 1 : i32
        %parallel_loop3A_471 = arith.index_cast %parallel_loop3A_470 : i32 to index
        %parallel_loop3A_472 = arith.index_cast %parallel_loop3A_424 : i32 to index
        %parallel_loop3A_473 = arith.constant 48 : index
        %parallel_loop3A_474 = tpu.vector_load %arg7[%parallel_loop3A_471, %parallel_loop3A_472, %parallel_loop3A_473] {strides = array<i32>} : memref<5x128x64xf32, #tpu.memory_space<vmem>>, vector<1x1x16xf32>,
        %parallel_loop3A_475 = vector.shape_cast %parallel_loop3A_474 : vector<1x1x16xf32> to vector<16xf32>
        %parallel_loop3A_476 = vector.broadcast %squeeze3A : f32 to vector<16xf32>
        %parallel_loop3A_477 = arith.mulf %parallel_loop3A_475, %parallel_loop3A_476 : vector<16xf32>
        %parallel_loop3A_478 = arith.constant 1 : i32
        %parallel_loop3A_479 = arith.index_cast %parallel_loop3A_478 : i32 to index
        %parallel_loop3A_480 = arith.index_cast %parallel_loop3A_424 : i32 to index
        %parallel_loop3A_481 = arith.constant 48 : index
        %parallel_loop3A_482 = tpu.vector_load %arg8[%parallel_loop3A_479, %parallel_loop3A_480, %parallel_loop3A_481] {strides = array<i32>} : memref<5x128x64xf32, #tpu.memory_space<vmem>>, vector<1x1x16xf32>,
        %parallel_loop3A_483 = vector.shape_cast %parallel_loop3A_482 : vector<1x1x16xf32> to vector<16xf32>
        %parallel_loop3A_484 = vector.shape_cast %parallel_loop3A_477 : vector<16xf32> to vector<1x1x16xf32>
        tpu.vector_store %arg8[%parallel_loop3A_479, %parallel_loop3A_480, %parallel_loop3A_481], %parallel_loop3A_484 {strides = array<i32>} : memref<5x128x64xf32, #tpu.memory_space<vmem>>, vector<1x1x16xf32>,
      } {sc.loop_unroll_factor = 8 : i64, sc.parallel_access}
      %mul3A_245 = arith.constant 128 : i32
      %mul3A_246 = arith.muli %add3A_223, %mul3A_245 : i32
      %add3A_247 = arith.addi %mul3A_4, %mul3A_246 : i32
      %dma_start3A_248 = arith.constant 1 : i32
      %dma_start3A_249 = arith.constant 1 : i32
      %dma_start3A_250 = arith.constant 0 : i32
      %dma_start3A_251 = arith.constant 0 : i32
      %dma_start3A_252 = tpu.memref_slice %arg8[%dma_start3A_248, %dma_start3A_250, %dma_start3A_251] : memref<5x128x64xf32, #tpu.memory_space<vmem>> -> memref<1x128x64xf32, #tpu.memory_space<vmem>>
      %dma_start3A_253 = tpu.memref_squeeze %dma_start3A_252 : memref<1x128x64xf32, #tpu.memory_space<vmem>> -> memref<128x64xf32, #tpu.memory_space<vmem>>
      %dma_start3A_254 = arith.constant 0 : i32
      %dma_start3A_255 = tpu.memref_slice %arg5[%add3A_247, %dma_start3A_254] : memref<819200x128xf32, #tpu.memory_space<hbm>> -> memref<128x64xf32, #tpu.memory_space<hbm>>
      %dma_start3A_256 = tpu.memref_slice %arg10[%dma_start3A_249] : memref<5x!tpu.dma_semaphore, #tpu.memory_space<semaphore_mem>> -> memref<1x!tpu.dma_semaphore, #tpu.memory_space<semaphore_mem>>
      %dma_start3A_257 = tpu.memref_squeeze %dma_start3A_256 : memref<1x!tpu.dma_semaphore, #tpu.memory_space<semaphore_mem>> -> memref<!tpu.dma_semaphore, #tpu.memory_space<semaphore_mem>>
      %dma_start3A_258 = arith.constant 0 : i32
      %dma_start3A_259 = tpu.memref_slice %arg5[%add3A_247, %dma_start3A_258] : memref<819200x128xf32, #tpu.memory_space<hbm>> -> memref<128x64xf32, #tpu.memory_space<hbm>>
      %dma_start3A_260 = arith.constant 0 : i32
      %dma_start3A_261 = arith.constant 0 : i32
      %dma_start3A_262 = tpu.memref_slice %arg8[%dma_start3A_248, %dma_start3A_260, %dma_start3A_261] : memref<5x128x64xf32, #tpu.memory_space<vmem>> -> memref<1x128x64xf32, #tpu.memory_space<vmem>>
      %dma_start3A_263 = tpu.memref_squeeze %dma_start3A_262 : memref<1x128x64xf32, #tpu.memory_space<vmem>> -> memref<128x64xf32, #tpu.memory_space<vmem>>
      tpu.enqueue_dma source(%dma_start3A_263 : memref<128x64xf32, #tpu.memory_space<vmem>>) target(%dma_start3A_259 : memref<128x64xf32, #tpu.memory_space<hbm>>) target_semaphore(%dma_start3A_257 : memref<!tpu.dma_semaphore, #tpu.memory_space<semaphore_mem>>)
      %add3A_264 = arith.constant 5 : i32
      %add3A_265 = arith.addi %add3A_223, %add3A_264 : i32
      %lt3A_266 = arith.constant 200 : i32
      %lt3A_267 = arith.cmpi slt, %add3A_265, %lt3A_266 : i32
      %convert_element_type3A_268 = arith.extui %lt3A_267 : i1 to i32
      %cond3A_269 = arith.constant 0 : i32
      %cond3A_270 = arith.cmpi ne, %convert_element_type3A_268, %cond3A_269 : i32
      scf.if %cond3A_270 {
        %add3A_424 = arith.constant 5 : i32
        %add3A_425 = arith.addi %add3A_223, %add3A_424 : i32
        %mul3A_426 = arith.constant 128 : i32
        %mul3A_427 = arith.muli %add3A_425, %mul3A_426 : i32
        %dma_start3A_428 = arith.constant 1 : i32
        %dma_start3A_429 = arith.constant 1 : i32
        %dma_start3A_430 = arith.constant 0 : i32
        %dma_start3A_431 = arith.constant 0 : i32
        %dma_start3A_432 = tpu.memref_slice %arg7[%dma_start3A_428, %dma_start3A_430, %dma_start3A_431] : memref<5x128x64xf32, #tpu.memory_space<vmem>> -> memref<1x128x64xf32, #tpu.memory_space<vmem>>
        %dma_start3A_433 = tpu.memref_squeeze %dma_start3A_432 : memref<1x128x64xf32, #tpu.memory_space<vmem>> -> memref<128x64xf32, #tpu.memory_space<vmem>>
        %dma_start3A_434 = tpu.memref_slice %arg6[%mul3A_427] : memref<25600xi32, #tpu.memory_space<vmem>> -> memref<128xi32, #tpu.memory_space<vmem>>
        %dma_start3A_435 = arith.constant 0 : i32
        %dma_start3A_436 = arith.constant 0 : i32
        %dma_start3A_437 = tpu.memref_slice %arg3[%dma_start3A_435, %dma_start3A_436] : memref<1000000x64xf32, #tpu.memory_space<hbm>> -> memref<1000000x64xf32, #tpu.memory_space<hbm>>
        %dma_start3A_438 = tpu.memref_slice %arg9[%dma_start3A_429] : memref<5x!tpu.dma_semaphore, #tpu.memory_space<semaphore_mem>> -> memref<1x!tpu.dma_semaphore, #tpu.memory_space<semaphore_mem>>
        %dma_start3A_439 = tpu.memref_squeeze %dma_start3A_438 : memref<1x!tpu.dma_semaphore, #tpu.memory_space<semaphore_mem>> -> memref<!tpu.dma_semaphore, #tpu.memory_space<semaphore_mem>>
        tpu.enqueue_indirect_dma source(%dma_start3A_437 : memref<1000000x64xf32, #tpu.memory_space<hbm>>) target(%dma_start3A_433 : memref<128x64xf32, #tpu.memory_space<vmem>>) offsets(%dma_start3A_434 : memref<128xi32, #tpu.memory_space<vmem>>) semaphore(%dma_start3A_439 : memref<!tpu.dma_semaphore, #tpu.memory_space<semaphore_mem>>)
      } else {
      }
      %mul3A_271 = arith.constant 5 : i32
      %mul3A_272 = arith.muli %scan3A_173, %mul3A_271 : i32
      %add3A_273 = arith.constant 2 : i32
      %add3A_274 = arith.addi %mul3A_272, %add3A_273 : i32
      %dma_wait3A_275 = arith.constant 2 : i32
      %dma_wait3A_276 = arith.constant 2 : i32
      %dma_wait3A_277 = arith.constant 0 : i32
      %dma_wait3A_278 = arith.constant 0 : i32
      %dma_wait3A_279 = tpu.memref_slice %arg7[%dma_wait3A_275, %dma_wait3A_277, %dma_wait3A_278] : memref<5x128x64xf32, #tpu.memory_space<vmem>> -> memref<1x128x64xf32, #tpu.memory_space<vmem>>
      %dma_wait3A_280 = tpu.memref_squeeze %dma_wait3A_279 : memref<1x128x64xf32, #tpu.memory_space<vmem>> -> memref<128x64xf32, #tpu.memory_space<vmem>>
      %dma_wait3A_281 = arith.constant 0 : i32
      %dma_wait3A_282 = tpu.memref_slice %arg6[%dma_wait3A_281] : memref<25600xi32, #tpu.memory_space<vmem>> -> memref<128xi32, #tpu.memory_space<vmem>>
      %dma_wait3A_283 = arith.constant 0 : i32
      %dma_wait3A_284 = arith.constant 0 : i32
      %dma_wait3A_285 = tpu.memref_slice %arg3[%dma_wait3A_283, %dma_wait3A_284] : memref<1000000x64xf32, #tpu.memory_space<hbm>> -> memref<1000000x64xf32, #tpu.memory_space<hbm>>
      %dma_wait3A_286 = tpu.memref_slice %arg9[%dma_wait3A_276] : memref<5x!tpu.dma_semaphore, #tpu.memory_space<semaphore_mem>> -> memref<1x!tpu.dma_semaphore, #tpu.memory_space<semaphore_mem>>
      %dma_wait3A_287 = tpu.memref_squeeze %dma_wait3A_286 : memref<1x!tpu.dma_semaphore, #tpu.memory_space<semaphore_mem>> -> memref<!tpu.dma_semaphore, #tpu.memory_space<semaphore_mem>>
      tpu.wait_indirect_dma semaphore(%dma_wait3A_287 : memref<!tpu.dma_semaphore, #tpu.memory_space<semaphore_mem>>) src(%dma_wait3A_285 : memref<1000000x64xf32, #tpu.memory_space<hbm>>) dst(%dma_wait3A_280 : memref<128x64xf32, #tpu.memory_space<vmem>>)
      %gt3A_288 = arith.constant 0 : i32
      %gt3A_289 = arith.cmpi sgt, %scan3A_173, %gt3A_288 : i32
      %convert_element_type3A_290 = arith.extui %gt3A_289 : i1 to i32
      %cond3A_291 = arith.constant 0 : i32
      %cond3A_292 = arith.cmpi ne, %convert_element_type3A_290, %cond3A_291 : i32
      scf.if %cond3A_292 {
        %dma_wait3A_424 = arith.constant 2 : i32
        %dma_wait3A_425 = arith.constant 2 : i32
        %dma_wait3A_426 = arith.constant 0 : i32
        %dma_wait3A_427 = arith.constant 0 : i32
        %dma_wait3A_428 = tpu.memref_slice %arg8[%dma_wait3A_424, %dma_wait3A_426, %dma_wait3A_427] : memref<5x128x64xf32, #tpu.memory_space<vmem>> -> memref<1x128x64xf32, #tpu.memory_space<vmem>>
        %dma_wait3A_429 = tpu.memref_squeeze %dma_wait3A_428 : memref<1x128x64xf32, #tpu.memory_space<vmem>> -> memref<128x64xf32, #tpu.memory_space<vmem>>
        %dma_wait3A_430 = arith.constant 0 : i32
        %dma_wait3A_431 = arith.constant 0 : i32
        %dma_wait3A_432 = tpu.memref_slice %arg5[%dma_wait3A_430, %dma_wait3A_431] : memref<819200x128xf32, #tpu.memory_space<hbm>> -> memref<128x64xf32, #tpu.memory_space<hbm>>
        %dma_wait3A_433 = tpu.memref_slice %arg10[%dma_wait3A_425] : memref<5x!tpu.dma_semaphore, #tpu.memory_space<semaphore_mem>> -> memref<1x!tpu.dma_semaphore, #tpu.memory_space<semaphore_mem>>
        %dma_wait3A_434 = tpu.memref_squeeze %dma_wait3A_433 : memref<1x!tpu.dma_semaphore, #tpu.memory_space<semaphore_mem>> -> memref<!tpu.dma_semaphore, #tpu.memory_space<semaphore_mem>>
        %dma_wait3A_435 = arith.constant 0 : i32
        %dma_wait3A_436 = arith.constant 0 : i32
        %dma_wait3A_437 = tpu.memref_slice %arg5[%dma_wait3A_435, %dma_wait3A_436] : memref<819200x128xf32, #tpu.memory_space<hbm>> -> memref<128x64xf32, #tpu.memory_space<hbm>>
        %dma_wait3A_438 = arith.constant 0 : i32
        %dma_wait3A_439 = arith.constant 0 : i32
        %dma_wait3A_440 = tpu.memref_slice %arg8[%dma_wait3A_424, %dma_wait3A_438, %dma_wait3A_439] : memref<5x128x64xf32, #tpu.memory_space<vmem>> -> memref<1x128x64xf32, #tpu.memory_space<vmem>>
        %dma_wait3A_441 = tpu.memref_squeeze %dma_wait3A_440 : memref<1x128x64xf32, #tpu.memory_space<vmem>> -> memref<128x64xf32, #tpu.memory_space<vmem>>
        tpu.wait_dma2 semaphore(%dma_wait3A_434 : memref<!tpu.dma_semaphore, #tpu.memory_space<semaphore_mem>>) src(%dma_wait3A_441 : memref<128x64xf32, #tpu.memory_space<vmem>>) dst(%dma_wait3A_437 : memref<128x64xf32, #tpu.memory_space<hbm>>)
      } else {
      }
      %parallel_loop3A_293 = arith.constant 0 : i32
      %parallel_loop3A_294 = arith.constant 128 : i32
      %parallel_loop3A_295 = arith.constant 1 : i32
      scf.for %parallel_loop3A_424 = %parallel_loop3A_293 to %parallel_loop3A_294 step %parallel_loop3A_295  : i32 {
        %parallel_loop3A_425 = arith.constant 2 : i32
        %parallel_loop3A_426 = arith.index_cast %parallel_loop3A_425 : i32 to index
        %parallel_loop3A_427 = arith.index_cast %parallel_loop3A_424 : i32 to index
        %parallel_loop3A_428 = arith.constant 0 : index
        %parallel_loop3A_429 = tpu.vector_load %arg7[%parallel_loop3A_426, %parallel_loop3A_427, %parallel_loop3A_428] {strides = array<i32>} : memref<5x128x64xf32, #tpu.memory_space<vmem>>, vector<1x1x16xf32>,
        %parallel_loop3A_430 = vector.shape_cast %parallel_loop3A_429 : vector<1x1x16xf32> to vector<16xf32>
        %parallel_loop3A_431 = vector.broadcast %squeeze3A : f32 to vector<16xf32>
        %parallel_loop3A_432 = arith.mulf %parallel_loop3A_430, %parallel_loop3A_431 : vector<16xf32>
        %parallel_loop3A_433 = arith.constant 2 : i32
        %parallel_loop3A_434 = arith.index_cast %parallel_loop3A_433 : i32 to index
        %parallel_loop3A_435 = arith.index_cast %parallel_loop3A_424 : i32 to index
        %parallel_loop3A_436 = arith.constant 0 : index
        %parallel_loop3A_437 = tpu.vector_load %arg8[%parallel_loop3A_434, %parallel_loop3A_435, %parallel_loop3A_436] {strides = array<i32>} : memref<5x128x64xf32, #tpu.memory_space<vmem>>, vector<1x1x16xf32>,
        %parallel_loop3A_438 = vector.shape_cast %parallel_loop3A_437 : vector<1x1x16xf32> to vector<16xf32>
        %parallel_loop3A_439 = vector.shape_cast %parallel_loop3A_432 : vector<16xf32> to vector<1x1x16xf32>
        tpu.vector_store %arg8[%parallel_loop3A_434, %parallel_loop3A_435, %parallel_loop3A_436], %parallel_loop3A_439 {strides = array<i32>} : memref<5x128x64xf32, #tpu.memory_space<vmem>>, vector<1x1x16xf32>,
        %parallel_loop3A_440 = arith.constant 2 : i32
        %parallel_loop3A_441 = arith.index_cast %parallel_loop3A_440 : i32 to index
        %parallel_loop3A_442 = arith.index_cast %parallel_loop3A_424 : i32 to index
        %parallel_loop3A_443 = arith.constant 16 : index
        %parallel_loop3A_444 = tpu.vector_load %arg7[%parallel_loop3A_441, %parallel_loop3A_442, %parallel_loop3A_443] {strides = array<i32>} : memref<5x128x64xf32, #tpu.memory_space<vmem>>, vector<1x1x16xf32>,
        %parallel_loop3A_445 = vector.shape_cast %parallel_loop3A_444 : vector<1x1x16xf32> to vector<16xf32>
        %parallel_loop3A_446 = vector.broadcast %squeeze3A : f32 to vector<16xf32>
        %parallel_loop3A_447 = arith.mulf %parallel_loop3A_445, %parallel_loop3A_446 : vector<16xf32>
        %parallel_loop3A_448 = arith.constant 2 : i32
        %parallel_loop3A_449 = arith.index_cast %parallel_loop3A_448 : i32 to index
        %parallel_loop3A_450 = arith.index_cast %parallel_loop3A_424 : i32 to index
        %parallel_loop3A_451 = arith.constant 16 : index
        %parallel_loop3A_452 = tpu.vector_load %arg8[%parallel_loop3A_449, %parallel_loop3A_450, %parallel_loop3A_451] {strides = array<i32>} : memref<5x128x64xf32, #tpu.memory_space<vmem>>, vector<1x1x16xf32>,
        %parallel_loop3A_453 = vector.shape_cast %parallel_loop3A_452 : vector<1x1x16xf32> to vector<16xf32>
        %parallel_loop3A_454 = vector.shape_cast %parallel_loop3A_447 : vector<16xf32> to vector<1x1x16xf32>
        tpu.vector_store %arg8[%parallel_loop3A_449, %parallel_loop3A_450, %parallel_loop3A_451], %parallel_loop3A_454 {strides = array<i32>} : memref<5x128x64xf32, #tpu.memory_space<vmem>>, vector<1x1x16xf32>,
        %parallel_loop3A_455 = arith.constant 2 : i32
        %parallel_loop3A_456 = arith.index_cast %parallel_loop3A_455 : i32 to index
        %parallel_loop3A_457 = arith.index_cast %parallel_loop3A_424 : i32 to index
        %parallel_loop3A_458 = arith.constant 32 : index
        %parallel_loop3A_459 = tpu.vector_load %arg7[%parallel_loop3A_456, %parallel_loop3A_457, %parallel_loop3A_458] {strides = array<i32>} : memref<5x128x64xf32, #tpu.memory_space<vmem>>, vector<1x1x16xf32>,
        %parallel_loop3A_460 = vector.shape_cast %parallel_loop3A_459 : vector<1x1x16xf32> to vector<16xf32>
        %parallel_loop3A_461 = vector.broadcast %squeeze3A : f32 to vector<16xf32>
        %parallel_loop3A_462 = arith.mulf %parallel_loop3A_460, %parallel_loop3A_461 : vector<16xf32>
        %parallel_loop3A_463 = arith.constant 2 : i32
        %parallel_loop3A_464 = arith.index_cast %parallel_loop3A_463 : i32 to index
        %parallel_loop3A_465 = arith.index_cast %parallel_loop3A_424 : i32 to index
        %parallel_loop3A_466 = arith.constant 32 : index
        %parallel_loop3A_467 = tpu.vector_load %arg8[%parallel_loop3A_464, %parallel_loop3A_465, %parallel_loop3A_466] {strides = array<i32>} : memref<5x128x64xf32, #tpu.memory_space<vmem>>, vector<1x1x16xf32>,
        %parallel_loop3A_468 = vector.shape_cast %parallel_loop3A_467 : vector<1x1x16xf32> to vector<16xf32>
        %parallel_loop3A_469 = vector.shape_cast %parallel_loop3A_462 : vector<16xf32> to vector<1x1x16xf32>
        tpu.vector_store %arg8[%parallel_loop3A_464, %parallel_loop3A_465, %parallel_loop3A_466], %parallel_loop3A_469 {strides = array<i32>} : memref<5x128x64xf32, #tpu.memory_space<vmem>>, vector<1x1x16xf32>,
        %parallel_loop3A_470 = arith.constant 2 : i32
        %parallel_loop3A_471 = arith.index_cast %parallel_loop3A_470 : i32 to index
        %parallel_loop3A_472 = arith.index_cast %parallel_loop3A_424 : i32 to index
        %parallel_loop3A_473 = arith.constant 48 : index
        %parallel_loop3A_474 = tpu.vector_load %arg7[%parallel_loop3A_471, %parallel_loop3A_472, %parallel_loop3A_473] {strides = array<i32>} : memref<5x128x64xf32, #tpu.memory_space<vmem>>, vector<1x1x16xf32>,
        %parallel_loop3A_475 = vector.shape_cast %parallel_loop3A_474 : vector<1x1x16xf32> to vector<16xf32>
        %parallel_loop3A_476 = vector.broadcast %squeeze3A : f32 to vector<16xf32>
        %parallel_loop3A_477 = arith.mulf %parallel_loop3A_475, %parallel_loop3A_476 : vector<16xf32>
        %parallel_loop3A_478 = arith.constant 2 : i32
        %parallel_loop3A_479 = arith.index_cast %parallel_loop3A_478 : i32 to index
        %parallel_loop3A_480 = arith.index_cast %parallel_loop3A_424 : i32 to index
        %parallel_loop3A_481 = arith.constant 48 : index
        %parallel_loop3A_482 = tpu.vector_load %arg8[%parallel_loop3A_479, %parallel_loop3A_480, %parallel_loop3A_481] {strides = array<i32>} : memref<5x128x64xf32, #tpu.memory_space<vmem>>, vector<1x1x16xf32>,
        %parallel_loop3A_483 = vector.shape_cast %parallel_loop3A_482 : vector<1x1x16xf32> to vector<16xf32>
        %parallel_loop3A_484 = vector.shape_cast %parallel_loop3A_477 : vector<16xf32> to vector<1x1x16xf32>
        tpu.vector_store %arg8[%parallel_loop3A_479, %parallel_loop3A_480, %parallel_loop3A_481], %parallel_loop3A_484 {strides = array<i32>} : memref<5x128x64xf32, #tpu.memory_space<vmem>>, vector<1x1x16xf32>,
      } {sc.loop_unroll_factor = 8 : i64, sc.parallel_access}
      %mul3A_296 = arith.constant 128 : i32
      %mul3A_297 = arith.muli %add3A_274, %mul3A_296 : i32
      %add3A_298 = arith.addi %mul3A_4, %mul3A_297 : i32
      %dma_start3A_299 = arith.constant 2 : i32
      %dma_start3A_300 = arith.constant 2 : i32
      %dma_start3A_301 = arith.constant 0 : i32
      %dma_start3A_302 = arith.constant 0 : i32
      %dma_start3A_303 = tpu.memref_slice %arg8[%dma_start3A_299, %dma_start3A_301, %dma_start3A_302] : memref<5x128x64xf32, #tpu.memory_space<vmem>> -> memref<1x128x64xf32, #tpu.memory_space<vmem>>
      %dma_start3A_304 = tpu.memref_squeeze %dma_start3A_303 : memref<1x128x64xf32, #tpu.memory_space<vmem>> -> memref<128x64xf32, #tpu.memory_space<vmem>>
      %dma_start3A_305 = arith.constant 0 : i32
      %dma_start3A_306 = tpu.memref_slice %arg5[%add3A_298, %dma_start3A_305] : memref<819200x128xf32, #tpu.memory_space<hbm>> -> memref<128x64xf32, #tpu.memory_space<hbm>>
      %dma_start3A_307 = tpu.memref_slice %arg10[%dma_start3A_300] : memref<5x!tpu.dma_semaphore, #tpu.memory_space<semaphore_mem>> -> memref<1x!tpu.dma_semaphore, #tpu.memory_space<semaphore_mem>>
      %dma_start3A_308 = tpu.memref_squeeze %dma_start3A_307 : memref<1x!tpu.dma_semaphore, #tpu.memory_space<semaphore_mem>> -> memref<!tpu.dma_semaphore, #tpu.memory_space<semaphore_mem>>
      %dma_start3A_309 = arith.constant 0 : i32
      %dma_start3A_310 = tpu.memref_slice %arg5[%add3A_298, %dma_start3A_309] : memref<819200x128xf32, #tpu.memory_space<hbm>> -> memref<128x64xf32, #tpu.memory_space<hbm>>
      %dma_start3A_311 = arith.constant 0 : i32
      %dma_start3A_312 = arith.constant 0 : i32
      %dma_start3A_313 = tpu.memref_slice %arg8[%dma_start3A_299, %dma_start3A_311, %dma_start3A_312] : memref<5x128x64xf32, #tpu.memory_space<vmem>> -> memref<1x128x64xf32, #tpu.memory_space<vmem>>
      %dma_start3A_314 = tpu.memref_squeeze %dma_start3A_313 : memref<1x128x64xf32, #tpu.memory_space<vmem>> -> memref<128x64xf32, #tpu.memory_space<vmem>>
      tpu.enqueue_dma source(%dma_start3A_314 : memref<128x64xf32, #tpu.memory_space<vmem>>) target(%dma_start3A_310 : memref<128x64xf32, #tpu.memory_space<hbm>>) target_semaphore(%dma_start3A_308 : memref<!tpu.dma_semaphore, #tpu.memory_space<semaphore_mem>>)
      %add3A_315 = arith.constant 5 : i32
      %add3A_316 = arith.addi %add3A_274, %add3A_315 : i32
      %lt3A_317 = arith.constant 200 : i32
      %lt3A_318 = arith.cmpi slt, %add3A_316, %lt3A_317 : i32
      %convert_element_type3A_319 = arith.extui %lt3A_318 : i1 to i32
      %cond3A_320 = arith.constant 0 : i32
      %cond3A_321 = arith.cmpi ne, %convert_element_type3A_319, %cond3A_320 : i32
      scf.if %cond3A_321 {
        %add3A_424 = arith.constant 5 : i32
        %add3A_425 = arith.addi %add3A_274, %add3A_424 : i32
        %mul3A_426 = arith.constant 128 : i32
        %mul3A_427 = arith.muli %add3A_425, %mul3A_426 : i32
        %dma_start3A_428 = arith.constant 2 : i32
        %dma_start3A_429 = arith.constant 2 : i32
        %dma_start3A_430 = arith.constant 0 : i32
        %dma_start3A_431 = arith.constant 0 : i32
        %dma_start3A_432 = tpu.memref_slice %arg7[%dma_start3A_428, %dma_start3A_430, %dma_start3A_431] : memref<5x128x64xf32, #tpu.memory_space<vmem>> -> memref<1x128x64xf32, #tpu.memory_space<vmem>>
        %dma_start3A_433 = tpu.memref_squeeze %dma_start3A_432 : memref<1x128x64xf32, #tpu.memory_space<vmem>> -> memref<128x64xf32, #tpu.memory_space<vmem>>
        %dma_start3A_434 = tpu.memref_slice %arg6[%mul3A_427] : memref<25600xi32, #tpu.memory_space<vmem>> -> memref<128xi32, #tpu.memory_space<vmem>>
        %dma_start3A_435 = arith.constant 0 : i32
        %dma_start3A_436 = arith.constant 0 : i32
        %dma_start3A_437 = tpu.memref_slice %arg3[%dma_start3A_435, %dma_start3A_436] : memref<1000000x64xf32, #tpu.memory_space<hbm>> -> memref<1000000x64xf32, #tpu.memory_space<hbm>>
        %dma_start3A_438 = tpu.memref_slice %arg9[%dma_start3A_429] : memref<5x!tpu.dma_semaphore, #tpu.memory_space<semaphore_mem>> -> memref<1x!tpu.dma_semaphore, #tpu.memory_space<semaphore_mem>>
        %dma_start3A_439 = tpu.memref_squeeze %dma_start3A_438 : memref<1x!tpu.dma_semaphore, #tpu.memory_space<semaphore_mem>> -> memref<!tpu.dma_semaphore, #tpu.memory_space<semaphore_mem>>
        tpu.enqueue_indirect_dma source(%dma_start3A_437 : memref<1000000x64xf32, #tpu.memory_space<hbm>>) target(%dma_start3A_433 : memref<128x64xf32, #tpu.memory_space<vmem>>) offsets(%dma_start3A_434 : memref<128xi32, #tpu.memory_space<vmem>>) semaphore(%dma_start3A_439 : memref<!tpu.dma_semaphore, #tpu.memory_space<semaphore_mem>>)
      } else {
      }
      %mul3A_322 = arith.constant 5 : i32
      %mul3A_323 = arith.muli %scan3A_173, %mul3A_322 : i32
      %add3A_324 = arith.constant 3 : i32
      %add3A_325 = arith.addi %mul3A_323, %add3A_324 : i32
      %dma_wait3A_326 = arith.constant 3 : i32
      %dma_wait3A_327 = arith.constant 3 : i32
      %dma_wait3A_328 = arith.constant 0 : i32
      %dma_wait3A_329 = arith.constant 0 : i32
      %dma_wait3A_330 = tpu.memref_slice %arg7[%dma_wait3A_326, %dma_wait3A_328, %dma_wait3A_329] : memref<5x128x64xf32, #tpu.memory_space<vmem>> -> memref<1x128x64xf32, #tpu.memory_space<vmem>>
      %dma_wait3A_331 = tpu.memref_squeeze %dma_wait3A_330 : memref<1x128x64xf32, #tpu.memory_space<vmem>> -> memref<128x64xf32, #tpu.memory_space<vmem>>
      %dma_wait3A_332 = arith.constant 0 : i32
      %dma_wait3A_333 = tpu.memref_slice %arg6[%dma_wait3A_332] : memref<25600xi32, #tpu.memory_space<vmem>> -> memref<128xi32, #tpu.memory_space<vmem>>
      %dma_wait3A_334 = arith.constant 0 : i32
      %dma_wait3A_335 = arith.constant 0 : i32
      %dma_wait3A_336 = tpu.memref_slice %arg3[%dma_wait3A_334, %dma_wait3A_335] : memref<1000000x64xf32, #tpu.memory_space<hbm>> -> memref<1000000x64xf32, #tpu.memory_space<hbm>>
      %dma_wait3A_337 = tpu.memref_slice %arg9[%dma_wait3A_327] : memref<5x!tpu.dma_semaphore, #tpu.memory_space<semaphore_mem>> -> memref<1x!tpu.dma_semaphore, #tpu.memory_space<semaphore_mem>>
      %dma_wait3A_338 = tpu.memref_squeeze %dma_wait3A_337 : memref<1x!tpu.dma_semaphore, #tpu.memory_space<semaphore_mem>> -> memref<!tpu.dma_semaphore, #tpu.memory_space<semaphore_mem>>
      tpu.wait_indirect_dma semaphore(%dma_wait3A_338 : memref<!tpu.dma_semaphore, #tpu.memory_space<semaphore_mem>>) src(%dma_wait3A_336 : memref<1000000x64xf32, #tpu.memory_space<hbm>>) dst(%dma_wait3A_331 : memref<128x64xf32, #tpu.memory_space<vmem>>)
      %gt3A_339 = arith.constant 0 : i32
      %gt3A_340 = arith.cmpi sgt, %scan3A_173, %gt3A_339 : i32
      %convert_element_type3A_341 = arith.extui %gt3A_340 : i1 to i32
      %cond3A_342 = arith.constant 0 : i32
      %cond3A_343 = arith.cmpi ne, %convert_element_type3A_341, %cond3A_342 : i32
      scf.if %cond3A_343 {
        %dma_wait3A_424 = arith.constant 3 : i32
        %dma_wait3A_425 = arith.constant 3 : i32
        %dma_wait3A_426 = arith.constant 0 : i32
        %dma_wait3A_427 = arith.constant 0 : i32
        %dma_wait3A_428 = tpu.memref_slice %arg8[%dma_wait3A_424, %dma_wait3A_426, %dma_wait3A_427] : memref<5x128x64xf32, #tpu.memory_space<vmem>> -> memref<1x128x64xf32, #tpu.memory_space<vmem>>
        %dma_wait3A_429 = tpu.memref_squeeze %dma_wait3A_428 : memref<1x128x64xf32, #tpu.memory_space<vmem>> -> memref<128x64xf32, #tpu.memory_space<vmem>>
        %dma_wait3A_430 = arith.constant 0 : i32
        %dma_wait3A_431 = arith.constant 0 : i32
        %dma_wait3A_432 = tpu.memref_slice %arg5[%dma_wait3A_430, %dma_wait3A_431] : memref<819200x128xf32, #tpu.memory_space<hbm>> -> memref<128x64xf32, #tpu.memory_space<hbm>>
        %dma_wait3A_433 = tpu.memref_slice %arg10[%dma_wait3A_425] : memref<5x!tpu.dma_semaphore, #tpu.memory_space<semaphore_mem>> -> memref<1x!tpu.dma_semaphore, #tpu.memory_space<semaphore_mem>>
        %dma_wait3A_434 = tpu.memref_squeeze %dma_wait3A_433 : memref<1x!tpu.dma_semaphore, #tpu.memory_space<semaphore_mem>> -> memref<!tpu.dma_semaphore, #tpu.memory_space<semaphore_mem>>
        %dma_wait3A_435 = arith.constant 0 : i32
        %dma_wait3A_436 = arith.constant 0 : i32
        %dma_wait3A_437 = tpu.memref_slice %arg5[%dma_wait3A_435, %dma_wait3A_436] : memref<819200x128xf32, #tpu.memory_space<hbm>> -> memref<128x64xf32, #tpu.memory_space<hbm>>
        %dma_wait3A_438 = arith.constant 0 : i32
        %dma_wait3A_439 = arith.constant 0 : i32
        %dma_wait3A_440 = tpu.memref_slice %arg8[%dma_wait3A_424, %dma_wait3A_438, %dma_wait3A_439] : memref<5x128x64xf32, #tpu.memory_space<vmem>> -> memref<1x128x64xf32, #tpu.memory_space<vmem>>
        %dma_wait3A_441 = tpu.memref_squeeze %dma_wait3A_440 : memref<1x128x64xf32, #tpu.memory_space<vmem>> -> memref<128x64xf32, #tpu.memory_space<vmem>>
        tpu.wait_dma2 semaphore(%dma_wait3A_434 : memref<!tpu.dma_semaphore, #tpu.memory_space<semaphore_mem>>) src(%dma_wait3A_441 : memref<128x64xf32, #tpu.memory_space<vmem>>) dst(%dma_wait3A_437 : memref<128x64xf32, #tpu.memory_space<hbm>>)
      } else {
      }
      %parallel_loop3A_344 = arith.constant 0 : i32
      %parallel_loop3A_345 = arith.constant 128 : i32
      %parallel_loop3A_346 = arith.constant 1 : i32
      scf.for %parallel_loop3A_424 = %parallel_loop3A_344 to %parallel_loop3A_345 step %parallel_loop3A_346  : i32 {
        %parallel_loop3A_425 = arith.constant 3 : i32
        %parallel_loop3A_426 = arith.index_cast %parallel_loop3A_425 : i32 to index
        %parallel_loop3A_427 = arith.index_cast %parallel_loop3A_424 : i32 to index
        %parallel_loop3A_428 = arith.constant 0 : index
        %parallel_loop3A_429 = tpu.vector_load %arg7[%parallel_loop3A_426, %parallel_loop3A_427, %parallel_loop3A_428] {strides = array<i32>} : memref<5x128x64xf32, #tpu.memory_space<vmem>>, vector<1x1x16xf32>,
        %parallel_loop3A_430 = vector.shape_cast %parallel_loop3A_429 : vector<1x1x16xf32> to vector<16xf32>
        %parallel_loop3A_431 = vector.broadcast %squeeze3A : f32 to vector<16xf32>
        %parallel_loop3A_432 = arith.mulf %parallel_loop3A_430, %parallel_loop3A_431 : vector<16xf32>
        %parallel_loop3A_433 = arith.constant 3 : i32
        %parallel_loop3A_434 = arith.index_cast %parallel_loop3A_433 : i32 to index
        %parallel_loop3A_435 = arith.index_cast %parallel_loop3A_424 : i32 to index
        %parallel_loop3A_436 = arith.constant 0 : index
        %parallel_loop3A_437 = tpu.vector_load %arg8[%parallel_loop3A_434, %parallel_loop3A_435, %parallel_loop3A_436] {strides = array<i32>} : memref<5x128x64xf32, #tpu.memory_space<vmem>>, vector<1x1x16xf32>,
        %parallel_loop3A_438 = vector.shape_cast %parallel_loop3A_437 : vector<1x1x16xf32> to vector<16xf32>
        %parallel_loop3A_439 = vector.shape_cast %parallel_loop3A_432 : vector<16xf32> to vector<1x1x16xf32>
        tpu.vector_store %arg8[%parallel_loop3A_434, %parallel_loop3A_435, %parallel_loop3A_436], %parallel_loop3A_439 {strides = array<i32>} : memref<5x128x64xf32, #tpu.memory_space<vmem>>, vector<1x1x16xf32>,
        %parallel_loop3A_440 = arith.constant 3 : i32
        %parallel_loop3A_441 = arith.index_cast %parallel_loop3A_440 : i32 to index
        %parallel_loop3A_442 = arith.index_cast %parallel_loop3A_424 : i32 to index
        %parallel_loop3A_443 = arith.constant 16 : index
        %parallel_loop3A_444 = tpu.vector_load %arg7[%parallel_loop3A_441, %parallel_loop3A_442, %parallel_loop3A_443] {strides = array<i32>} : memref<5x128x64xf32, #tpu.memory_space<vmem>>, vector<1x1x16xf32>,
        %parallel_loop3A_445 = vector.shape_cast %parallel_loop3A_444 : vector<1x1x16xf32> to vector<16xf32>
        %parallel_loop3A_446 = vector.broadcast %squeeze3A : f32 to vector<16xf32>
        %parallel_loop3A_447 = arith.mulf %parallel_loop3A_445, %parallel_loop3A_446 : vector<16xf32>
        %parallel_loop3A_448 = arith.constant 3 : i32
        %parallel_loop3A_449 = arith.index_cast %parallel_loop3A_448 : i32 to index
        %parallel_loop3A_450 = arith.index_cast %parallel_loop3A_424 : i32 to index
        %parallel_loop3A_451 = arith.constant 16 : index
        %parallel_loop3A_452 = tpu.vector_load %arg8[%parallel_loop3A_449, %parallel_loop3A_450, %parallel_loop3A_451] {strides = array<i32>} : memref<5x128x64xf32, #tpu.memory_space<vmem>>, vector<1x1x16xf32>,
        %parallel_loop3A_453 = vector.shape_cast %parallel_loop3A_452 : vector<1x1x16xf32> to vector<16xf32>
        %parallel_loop3A_454 = vector.shape_cast %parallel_loop3A_447 : vector<16xf32> to vector<1x1x16xf32>
        tpu.vector_store %arg8[%parallel_loop3A_449, %parallel_loop3A_450, %parallel_loop3A_451], %parallel_loop3A_454 {strides = array<i32>} : memref<5x128x64xf32, #tpu.memory_space<vmem>>, vector<1x1x16xf32>,
        %parallel_loop3A_455 = arith.constant 3 : i32
        %parallel_loop3A_456 = arith.index_cast %parallel_loop3A_455 : i32 to index
        %parallel_loop3A_457 = arith.index_cast %parallel_loop3A_424 : i32 to index
        %parallel_loop3A_458 = arith.constant 32 : index
        %parallel_loop3A_459 = tpu.vector_load %arg7[%parallel_loop3A_456, %parallel_loop3A_457, %parallel_loop3A_458] {strides = array<i32>} : memref<5x128x64xf32, #tpu.memory_space<vmem>>, vector<1x1x16xf32>,
        %parallel_loop3A_460 = vector.shape_cast %parallel_loop3A_459 : vector<1x1x16xf32> to vector<16xf32>
        %parallel_loop3A_461 = vector.broadcast %squeeze3A : f32 to vector<16xf32>
        %parallel_loop3A_462 = arith.mulf %parallel_loop3A_460, %parallel_loop3A_461 : vector<16xf32>
        %parallel_loop3A_463 = arith.constant 3 : i32
        %parallel_loop3A_464 = arith.index_cast %parallel_loop3A_463 : i32 to index
        %parallel_loop3A_465 = arith.index_cast %parallel_loop3A_424 : i32 to index
        %parallel_loop3A_466 = arith.constant 32 : index
        %parallel_loop3A_467 = tpu.vector_load %arg8[%parallel_loop3A_464, %parallel_loop3A_465, %parallel_loop3A_466] {strides = array<i32>} : memref<5x128x64xf32, #tpu.memory_space<vmem>>, vector<1x1x16xf32>,
        %parallel_loop3A_468 = vector.shape_cast %parallel_loop3A_467 : vector<1x1x16xf32> to vector<16xf32>
        %parallel_loop3A_469 = vector.shape_cast %parallel_loop3A_462 : vector<16xf32> to vector<1x1x16xf32>
        tpu.vector_store %arg8[%parallel_loop3A_464, %parallel_loop3A_465, %parallel_loop3A_466], %parallel_loop3A_469 {strides = array<i32>} : memref<5x128x64xf32, #tpu.memory_space<vmem>>, vector<1x1x16xf32>,
        %parallel_loop3A_470 = arith.constant 3 : i32
        %parallel_loop3A_471 = arith.index_cast %parallel_loop3A_470 : i32 to index
        %parallel_loop3A_472 = arith.index_cast %parallel_loop3A_424 : i32 to index
        %parallel_loop3A_473 = arith.constant 48 : index
        %parallel_loop3A_474 = tpu.vector_load %arg7[%parallel_loop3A_471, %parallel_loop3A_472, %parallel_loop3A_473] {strides = array<i32>} : memref<5x128x64xf32, #tpu.memory_space<vmem>>, vector<1x1x16xf32>,
        %parallel_loop3A_475 = vector.shape_cast %parallel_loop3A_474 : vector<1x1x16xf32> to vector<16xf32>
        %parallel_loop3A_476 = vector.broadcast %squeeze3A : f32 to vector<16xf32>
        %parallel_loop3A_477 = arith.mulf %parallel_loop3A_475, %parallel_loop3A_476 : vector<16xf32>
        %parallel_loop3A_478 = arith.constant 3 : i32
        %parallel_loop3A_479 = arith.index_cast %parallel_loop3A_478 : i32 to index
        %parallel_loop3A_480 = arith.index_cast %parallel_loop3A_424 : i32 to index
        %parallel_loop3A_481 = arith.constant 48 : index
        %parallel_loop3A_482 = tpu.vector_load %arg8[%parallel_loop3A_479, %parallel_loop3A_480, %parallel_loop3A_481] {strides = array<i32>} : memref<5x128x64xf32, #tpu.memory_space<vmem>>, vector<1x1x16xf32>,
        %parallel_loop3A_483 = vector.shape_cast %parallel_loop3A_482 : vector<1x1x16xf32> to vector<16xf32>
        %parallel_loop3A_484 = vector.shape_cast %parallel_loop3A_477 : vector<16xf32> to vector<1x1x16xf32>
        tpu.vector_store %arg8[%parallel_loop3A_479, %parallel_loop3A_480, %parallel_loop3A_481], %parallel_loop3A_484 {strides = array<i32>} : memref<5x128x64xf32, #tpu.memory_space<vmem>>, vector<1x1x16xf32>,
      } {sc.loop_unroll_factor = 8 : i64, sc.parallel_access}
      %mul3A_347 = arith.constant 128 : i32
      %mul3A_348 = arith.muli %add3A_325, %mul3A_347 : i32
      %add3A_349 = arith.addi %mul3A_4, %mul3A_348 : i32
      %dma_start3A_350 = arith.constant 3 : i32
      %dma_start3A_351 = arith.constant 3 : i32
      %dma_start3A_352 = arith.constant 0 : i32
      %dma_start3A_353 = arith.constant 0 : i32
      %dma_start3A_354 = tpu.memref_slice %arg8[%dma_start3A_350, %dma_start3A_352, %dma_start3A_353] : memref<5x128x64xf32, #tpu.memory_space<vmem>> -> memref<1x128x64xf32, #tpu.memory_space<vmem>>
      %dma_start3A_355 = tpu.memref_squeeze %dma_start3A_354 : memref<1x128x64xf32, #tpu.memory_space<vmem>> -> memref<128x64xf32, #tpu.memory_space<vmem>>
      %dma_start3A_356 = arith.constant 0 : i32
      %dma_start3A_357 = tpu.memref_slice %arg5[%add3A_349, %dma_start3A_356] : memref<819200x128xf32, #tpu.memory_space<hbm>> -> memref<128x64xf32, #tpu.memory_space<hbm>>
      %dma_start3A_358 = tpu.memref_slice %arg10[%dma_start3A_351] : memref<5x!tpu.dma_semaphore, #tpu.memory_space<semaphore_mem>> -> memref<1x!tpu.dma_semaphore, #tpu.memory_space<semaphore_mem>>
      %dma_start3A_359 = tpu.memref_squeeze %dma_start3A_358 : memref<1x!tpu.dma_semaphore, #tpu.memory_space<semaphore_mem>> -> memref<!tpu.dma_semaphore, #tpu.memory_space<semaphore_mem>>
      %dma_start3A_360 = arith.constant 0 : i32
      %dma_start3A_361 = tpu.memref_slice %arg5[%add3A_349, %dma_start3A_360] : memref<819200x128xf32, #tpu.memory_space<hbm>> -> memref<128x64xf32, #tpu.memory_space<hbm>>
      %dma_start3A_362 = arith.constant 0 : i32
      %dma_start3A_363 = arith.constant 0 : i32
      %dma_start3A_364 = tpu.memref_slice %arg8[%dma_start3A_350, %dma_start3A_362, %dma_start3A_363] : memref<5x128x64xf32, #tpu.memory_space<vmem>> -> memref<1x128x64xf32, #tpu.memory_space<vmem>>
      %dma_start3A_365 = tpu.memref_squeeze %dma_start3A_364 : memref<1x128x64xf32, #tpu.memory_space<vmem>> -> memref<128x64xf32, #tpu.memory_space<vmem>>
      tpu.enqueue_dma source(%dma_start3A_365 : memref<128x64xf32, #tpu.memory_space<vmem>>) target(%dma_start3A_361 : memref<128x64xf32, #tpu.memory_space<hbm>>) target_semaphore(%dma_start3A_359 : memref<!tpu.dma_semaphore, #tpu.memory_space<semaphore_mem>>)
      %add3A_366 = arith.constant 5 : i32
      %add3A_367 = arith.addi %add3A_325, %add3A_366 : i32
      %lt3A_368 = arith.constant 200 : i32
      %lt3A_369 = arith.cmpi slt, %add3A_367, %lt3A_368 : i32
      %convert_element_type3A_370 = arith.extui %lt3A_369 : i1 to i32
      %cond3A_371 = arith.constant 0 : i32
      %cond3A_372 = arith.cmpi ne, %convert_element_type3A_370, %cond3A_371 : i32
      scf.if %cond3A_372 {
        %add3A_424 = arith.constant 5 : i32
        %add3A_425 = arith.addi %add3A_325, %add3A_424 : i32
        %mul3A_426 = arith.constant 128 : i32
        %mul3A_427 = arith.muli %add3A_425, %mul3A_426 : i32
        %dma_start3A_428 = arith.constant 3 : i32
        %dma_start3A_429 = arith.constant 3 : i32
        %dma_start3A_430 = arith.constant 0 : i32
        %dma_start3A_431 = arith.constant 0 : i32
        %dma_start3A_432 = tpu.memref_slice %arg7[%dma_start3A_428, %dma_start3A_430, %dma_start3A_431] : memref<5x128x64xf32, #tpu.memory_space<vmem>> -> memref<1x128x64xf32, #tpu.memory_space<vmem>>
        %dma_start3A_433 = tpu.memref_squeeze %dma_start3A_432 : memref<1x128x64xf32, #tpu.memory_space<vmem>> -> memref<128x64xf32, #tpu.memory_space<vmem>>
        %dma_start3A_434 = tpu.memref_slice %arg6[%mul3A_427] : memref<25600xi32, #tpu.memory_space<vmem>> -> memref<128xi32, #tpu.memory_space<vmem>>
        %dma_start3A_435 = arith.constant 0 : i32
        %dma_start3A_436 = arith.constant 0 : i32
        %dma_start3A_437 = tpu.memref_slice %arg3[%dma_start3A_435, %dma_start3A_436] : memref<1000000x64xf32, #tpu.memory_space<hbm>> -> memref<1000000x64xf32, #tpu.memory_space<hbm>>
        %dma_start3A_438 = tpu.memref_slice %arg9[%dma_start3A_429] : memref<5x!tpu.dma_semaphore, #tpu.memory_space<semaphore_mem>> -> memref<1x!tpu.dma_semaphore, #tpu.memory_space<semaphore_mem>>
        %dma_start3A_439 = tpu.memref_squeeze %dma_start3A_438 : memref<1x!tpu.dma_semaphore, #tpu.memory_space<semaphore_mem>> -> memref<!tpu.dma_semaphore, #tpu.memory_space<semaphore_mem>>
        tpu.enqueue_indirect_dma source(%dma_start3A_437 : memref<1000000x64xf32, #tpu.memory_space<hbm>>) target(%dma_start3A_433 : memref<128x64xf32, #tpu.memory_space<vmem>>) offsets(%dma_start3A_434 : memref<128xi32, #tpu.memory_space<vmem>>) semaphore(%dma_start3A_439 : memref<!tpu.dma_semaphore, #tpu.memory_space<semaphore_mem>>)
      } else {
      }
      %mul3A_373 = arith.constant 5 : i32
      %mul3A_374 = arith.muli %scan3A_173, %mul3A_373 : i32
      %add3A_375 = arith.constant 4 : i32
      %add3A_376 = arith.addi %mul3A_374, %add3A_375 : i32
      %dma_wait3A_377 = arith.constant 4 : i32
      %dma_wait3A_378 = arith.constant 4 : i32
      %dma_wait3A_379 = arith.constant 0 : i32
      %dma_wait3A_380 = arith.constant 0 : i32
      %dma_wait3A_381 = tpu.memref_slice %arg7[%dma_wait3A_377, %dma_wait3A_379, %dma_wait3A_380] : memref<5x128x64xf32, #tpu.memory_space<vmem>> -> memref<1x128x64xf32, #tpu.memory_space<vmem>>
      %dma_wait3A_382 = tpu.memref_squeeze %dma_wait3A_381 : memref<1x128x64xf32, #tpu.memory_space<vmem>> -> memref<128x64xf32, #tpu.memory_space<vmem>>
      %dma_wait3A_383 = arith.constant 0 : i32
      %dma_wait3A_384 = tpu.memref_slice %arg6[%dma_wait3A_383] : memref<25600xi32, #tpu.memory_space<vmem>> -> memref<128xi32, #tpu.memory_space<vmem>>
      %dma_wait3A_385 = arith.constant 0 : i32
      %dma_wait3A_386 = arith.constant 0 : i32
      %dma_wait3A_387 = tpu.memref_slice %arg3[%dma_wait3A_385, %dma_wait3A_386] : memref<1000000x64xf32, #tpu.memory_space<hbm>> -> memref<1000000x64xf32, #tpu.memory_space<hbm>>
      %dma_wait3A_388 = tpu.memref_slice %arg9[%dma_wait3A_378] : memref<5x!tpu.dma_semaphore, #tpu.memory_space<semaphore_mem>> -> memref<1x!tpu.dma_semaphore, #tpu.memory_space<semaphore_mem>>
      %dma_wait3A_389 = tpu.memref_squeeze %dma_wait3A_388 : memref<1x!tpu.dma_semaphore, #tpu.memory_space<semaphore_mem>> -> memref<!tpu.dma_semaphore, #tpu.memory_space<semaphore_mem>>
      tpu.wait_indirect_dma semaphore(%dma_wait3A_389 : memref<!tpu.dma_semaphore, #tpu.memory_space<semaphore_mem>>) src(%dma_wait3A_387 : memref<1000000x64xf32, #tpu.memory_space<hbm>>) dst(%dma_wait3A_382 : memref<128x64xf32, #tpu.memory_space<vmem>>)
      %gt3A_390 = arith.constant 0 : i32
      %gt3A_391 = arith.cmpi sgt, %scan3A_173, %gt3A_390 : i32
      %convert_element_type3A_392 = arith.extui %gt3A_391 : i1 to i32
      %cond3A_393 = arith.constant 0 : i32
      %cond3A_394 = arith.cmpi ne, %convert_element_type3A_392, %cond3A_393 : i32
      scf.if %cond3A_394 {
        %dma_wait3A_424 = arith.constant 4 : i32
        %dma_wait3A_425 = arith.constant 4 : i32
        %dma_wait3A_426 = arith.constant 0 : i32
        %dma_wait3A_427 = arith.constant 0 : i32
        %dma_wait3A_428 = tpu.memref_slice %arg8[%dma_wait3A_424, %dma_wait3A_426, %dma_wait3A_427] : memref<5x128x64xf32, #tpu.memory_space<vmem>> -> memref<1x128x64xf32, #tpu.memory_space<vmem>>
        %dma_wait3A_429 = tpu.memref_squeeze %dma_wait3A_428 : memref<1x128x64xf32, #tpu.memory_space<vmem>> -> memref<128x64xf32, #tpu.memory_space<vmem>>
        %dma_wait3A_430 = arith.constant 0 : i32
        %dma_wait3A_431 = arith.constant 0 : i32
        %dma_wait3A_432 = tpu.memref_slice %arg5[%dma_wait3A_430, %dma_wait3A_431] : memref<819200x128xf32, #tpu.memory_space<hbm>> -> memref<128x64xf32, #tpu.memory_space<hbm>>
        %dma_wait3A_433 = tpu.memref_slice %arg10[%dma_wait3A_425] : memref<5x!tpu.dma_semaphore, #tpu.memory_space<semaphore_mem>> -> memref<1x!tpu.dma_semaphore, #tpu.memory_space<semaphore_mem>>
        %dma_wait3A_434 = tpu.memref_squeeze %dma_wait3A_433 : memref<1x!tpu.dma_semaphore, #tpu.memory_space<semaphore_mem>> -> memref<!tpu.dma_semaphore, #tpu.memory_space<semaphore_mem>>
        %dma_wait3A_435 = arith.constant 0 : i32
        %dma_wait3A_436 = arith.constant 0 : i32
        %dma_wait3A_437 = tpu.memref_slice %arg5[%dma_wait3A_435, %dma_wait3A_436] : memref<819200x128xf32, #tpu.memory_space<hbm>> -> memref<128x64xf32, #tpu.memory_space<hbm>>
        %dma_wait3A_438 = arith.constant 0 : i32
        %dma_wait3A_439 = arith.constant 0 : i32
        %dma_wait3A_440 = tpu.memref_slice %arg8[%dma_wait3A_424, %dma_wait3A_438, %dma_wait3A_439] : memref<5x128x64xf32, #tpu.memory_space<vmem>> -> memref<1x128x64xf32, #tpu.memory_space<vmem>>
        %dma_wait3A_441 = tpu.memref_squeeze %dma_wait3A_440 : memref<1x128x64xf32, #tpu.memory_space<vmem>> -> memref<128x64xf32, #tpu.memory_space<vmem>>
        tpu.wait_dma2 semaphore(%dma_wait3A_434 : memref<!tpu.dma_semaphore, #tpu.memory_space<semaphore_mem>>) src(%dma_wait3A_441 : memref<128x64xf32, #tpu.memory_space<vmem>>) dst(%dma_wait3A_437 : memref<128x64xf32, #tpu.memory_space<hbm>>)
      } else {
      }
      %parallel_loop3A_395 = arith.constant 0 : i32
      %parallel_loop3A_396 = arith.constant 128 : i32
      %parallel_loop3A_397 = arith.constant 1 : i32
      scf.for %parallel_loop3A_424 = %parallel_loop3A_395 to %parallel_loop3A_396 step %parallel_loop3A_397  : i32 {
        %parallel_loop3A_425 = arith.constant 4 : i32
        %parallel_loop3A_426 = arith.index_cast %parallel_loop3A_425 : i32 to index
        %parallel_loop3A_427 = arith.index_cast %parallel_loop3A_424 : i32 to index
        %parallel_loop3A_428 = arith.constant 0 : index
        %parallel_loop3A_429 = tpu.vector_load %arg7[%parallel_loop3A_426, %parallel_loop3A_427, %parallel_loop3A_428] {strides = array<i32>} : memref<5x128x64xf32, #tpu.memory_space<vmem>>, vector<1x1x16xf32>,
        %parallel_loop3A_430 = vector.shape_cast %parallel_loop3A_429 : vector<1x1x16xf32> to vector<16xf32>
        %parallel_loop3A_431 = vector.broadcast %squeeze3A : f32 to vector<16xf32>
        %parallel_loop3A_432 = arith.mulf %parallel_loop3A_430, %parallel_loop3A_431 : vector<16xf32>
        %parallel_loop3A_433 = arith.constant 4 : i32
        %parallel_loop3A_434 = arith.index_cast %parallel_loop3A_433 : i32 to index
        %parallel_loop3A_435 = arith.index_cast %parallel_loop3A_424 : i32 to index
        %parallel_loop3A_436 = arith.constant 0 : index
        %parallel_loop3A_437 = tpu.vector_load %arg8[%parallel_loop3A_434, %parallel_loop3A_435, %parallel_loop3A_436] {strides = array<i32>} : memref<5x128x64xf32, #tpu.memory_space<vmem>>, vector<1x1x16xf32>,
        %parallel_loop3A_438 = vector.shape_cast %parallel_loop3A_437 : vector<1x1x16xf32> to vector<16xf32>
        %parallel_loop3A_439 = vector.shape_cast %parallel_loop3A_432 : vector<16xf32> to vector<1x1x16xf32>
        tpu.vector_store %arg8[%parallel_loop3A_434, %parallel_loop3A_435, %parallel_loop3A_436], %parallel_loop3A_439 {strides = array<i32>} : memref<5x128x64xf32, #tpu.memory_space<vmem>>, vector<1x1x16xf32>,
        %parallel_loop3A_440 = arith.constant 4 : i32
        %parallel_loop3A_441 = arith.index_cast %parallel_loop3A_440 : i32 to index
        %parallel_loop3A_442 = arith.index_cast %parallel_loop3A_424 : i32 to index
        %parallel_loop3A_443 = arith.constant 16 : index
        %parallel_loop3A_444 = tpu.vector_load %arg7[%parallel_loop3A_441, %parallel_loop3A_442, %parallel_loop3A_443] {strides = array<i32>} : memref<5x128x64xf32, #tpu.memory_space<vmem>>, vector<1x1x16xf32>,
        %parallel_loop3A_445 = vector.shape_cast %parallel_loop3A_444 : vector<1x1x16xf32> to vector<16xf32>
        %parallel_loop3A_446 = vector.broadcast %squeeze3A : f32 to vector<16xf32>
        %parallel_loop3A_447 = arith.mulf %parallel_loop3A_445, %parallel_loop3A_446 : vector<16xf32>
        %parallel_loop3A_448 = arith.constant 4 : i32
        %parallel_loop3A_449 = arith.index_cast %parallel_loop3A_448 : i32 to index
        %parallel_loop3A_450 = arith.index_cast %parallel_loop3A_424 : i32 to index
        %parallel_loop3A_451 = arith.constant 16 : index
        %parallel_loop3A_452 = tpu.vector_load %arg8[%parallel_loop3A_449, %parallel_loop3A_450, %parallel_loop3A_451] {strides = array<i32>} : memref<5x128x64xf32, #tpu.memory_space<vmem>>, vector<1x1x16xf32>,
        %parallel_loop3A_453 = vector.shape_cast %parallel_loop3A_452 : vector<1x1x16xf32> to vector<16xf32>
        %parallel_loop3A_454 = vector.shape_cast %parallel_loop3A_447 : vector<16xf32> to vector<1x1x16xf32>
        tpu.vector_store %arg8[%parallel_loop3A_449, %parallel_loop3A_450, %parallel_loop3A_451], %parallel_loop3A_454 {strides = array<i32>} : memref<5x128x64xf32, #tpu.memory_space<vmem>>, vector<1x1x16xf32>,
        %parallel_loop3A_455 = arith.constant 4 : i32
        %parallel_loop3A_456 = arith.index_cast %parallel_loop3A_455 : i32 to index
        %parallel_loop3A_457 = arith.index_cast %parallel_loop3A_424 : i32 to index
        %parallel_loop3A_458 = arith.constant 32 : index
        %parallel_loop3A_459 = tpu.vector_load %arg7[%parallel_loop3A_456, %parallel_loop3A_457, %parallel_loop3A_458] {strides = array<i32>} : memref<5x128x64xf32, #tpu.memory_space<vmem>>, vector<1x1x16xf32>,
        %parallel_loop3A_460 = vector.shape_cast %parallel_loop3A_459 : vector<1x1x16xf32> to vector<16xf32>
        %parallel_loop3A_461 = vector.broadcast %squeeze3A : f32 to vector<16xf32>
        %parallel_loop3A_462 = arith.mulf %parallel_loop3A_460, %parallel_loop3A_461 : vector<16xf32>
        %parallel_loop3A_463 = arith.constant 4 : i32
        %parallel_loop3A_464 = arith.index_cast %parallel_loop3A_463 : i32 to index
        %parallel_loop3A_465 = arith.index_cast %parallel_loop3A_424 : i32 to index
        %parallel_loop3A_466 = arith.constant 32 : index
        %parallel_loop3A_467 = tpu.vector_load %arg8[%parallel_loop3A_464, %parallel_loop3A_465, %parallel_loop3A_466] {strides = array<i32>} : memref<5x128x64xf32, #tpu.memory_space<vmem>>, vector<1x1x16xf32>,
        %parallel_loop3A_468 = vector.shape_cast %parallel_loop3A_467 : vector<1x1x16xf32> to vector<16xf32>
        %parallel_loop3A_469 = vector.shape_cast %parallel_loop3A_462 : vector<16xf32> to vector<1x1x16xf32>
        tpu.vector_store %arg8[%parallel_loop3A_464, %parallel_loop3A_465, %parallel_loop3A_466], %parallel_loop3A_469 {strides = array<i32>} : memref<5x128x64xf32, #tpu.memory_space<vmem>>, vector<1x1x16xf32>,
        %parallel_loop3A_470 = arith.constant 4 : i32
        %parallel_loop3A_471 = arith.index_cast %parallel_loop3A_470 : i32 to index
        %parallel_loop3A_472 = arith.index_cast %parallel_loop3A_424 : i32 to index
        %parallel_loop3A_473 = arith.constant 48 : index
        %parallel_loop3A_474 = tpu.vector_load %arg7[%parallel_loop3A_471, %parallel_loop3A_472, %parallel_loop3A_473] {strides = array<i32>} : memref<5x128x64xf32, #tpu.memory_space<vmem>>, vector<1x1x16xf32>,
        %parallel_loop3A_475 = vector.shape_cast %parallel_loop3A_474 : vector<1x1x16xf32> to vector<16xf32>
        %parallel_loop3A_476 = vector.broadcast %squeeze3A : f32 to vector<16xf32>
        %parallel_loop3A_477 = arith.mulf %parallel_loop3A_475, %parallel_loop3A_476 : vector<16xf32>
        %parallel_loop3A_478 = arith.constant 4 : i32
        %parallel_loop3A_479 = arith.index_cast %parallel_loop3A_478 : i32 to index
        %parallel_loop3A_480 = arith.index_cast %parallel_loop3A_424 : i32 to index
        %parallel_loop3A_481 = arith.constant 48 : index
        %parallel_loop3A_482 = tpu.vector_load %arg8[%parallel_loop3A_479, %parallel_loop3A_480, %parallel_loop3A_481] {strides = array<i32>} : memref<5x128x64xf32, #tpu.memory_space<vmem>>, vector<1x1x16xf32>,
        %parallel_loop3A_483 = vector.shape_cast %parallel_loop3A_482 : vector<1x1x16xf32> to vector<16xf32>
        %parallel_loop3A_484 = vector.shape_cast %parallel_loop3A_477 : vector<16xf32> to vector<1x1x16xf32>
        tpu.vector_store %arg8[%parallel_loop3A_479, %parallel_loop3A_480, %parallel_loop3A_481], %parallel_loop3A_484 {strides = array<i32>} : memref<5x128x64xf32, #tpu.memory_space<vmem>>, vector<1x1x16xf32>,
      } {sc.loop_unroll_factor = 8 : i64, sc.parallel_access}
      %mul3A_398 = arith.constant 128 : i32
      %mul3A_399 = arith.muli %add3A_376, %mul3A_398 : i32
      %add3A_400 = arith.addi %mul3A_4, %mul3A_399 : i32
      %dma_start3A_401 = arith.constant 4 : i32
      %dma_start3A_402 = arith.constant 4 : i32
      %dma_start3A_403 = arith.constant 0 : i32
      %dma_start3A_404 = arith.constant 0 : i32
      %dma_start3A_405 = tpu.memref_slice %arg8[%dma_start3A_401, %dma_start3A_403, %dma_start3A_404] : memref<5x128x64xf32, #tpu.memory_space<vmem>> -> memref<1x128x64xf32, #tpu.memory_space<vmem>>
      %dma_start3A_406 = tpu.memref_squeeze %dma_start3A_405 : memref<1x128x64xf32, #tpu.memory_space<vmem>> -> memref<128x64xf32, #tpu.memory_space<vmem>>
      %dma_start3A_407 = arith.constant 0 : i32
      %dma_start3A_408 = tpu.memref_slice %arg5[%add3A_400, %dma_start3A_407] : memref<819200x128xf32, #tpu.memory_space<hbm>> -> memref<128x64xf32, #tpu.memory_space<hbm>>
      %dma_start3A_409 = tpu.memref_slice %arg10[%dma_start3A_402] : memref<5x!tpu.dma_semaphore, #tpu.memory_space<semaphore_mem>> -> memref<1x!tpu.dma_semaphore, #tpu.memory_space<semaphore_mem>>
      %dma_start3A_410 = tpu.memref_squeeze %dma_start3A_409 : memref<1x!tpu.dma_semaphore, #tpu.memory_space<semaphore_mem>> -> memref<!tpu.dma_semaphore, #tpu.memory_space<semaphore_mem>>
      %dma_start3A_411 = arith.constant 0 : i32
      %dma_start3A_412 = tpu.memref_slice %arg5[%add3A_400, %dma_start3A_411] : memref<819200x128xf32, #tpu.memory_space<hbm>> -> memref<128x64xf32, #tpu.memory_space<hbm>>
      %dma_start3A_413 = arith.constant 0 : i32
      %dma_start3A_414 = arith.constant 0 : i32
      %dma_start3A_415 = tpu.memref_slice %arg8[%dma_start3A_401, %dma_start3A_413, %dma_start3A_414] : memref<5x128x64xf32, #tpu.memory_space<vmem>> -> memref<1x128x64xf32, #tpu.memory_space<vmem>>
      %dma_start3A_416 = tpu.memref_squeeze %dma_start3A_415 : memref<1x128x64xf32, #tpu.memory_space<vmem>> -> memref<128x64xf32, #tpu.memory_space<vmem>>
      tpu.enqueue_dma source(%dma_start3A_416 : memref<128x64xf32, #tpu.memory_space<vmem>>) target(%dma_start3A_412 : memref<128x64xf32, #tpu.memory_space<hbm>>) target_semaphore(%dma_start3A_410 : memref<!tpu.dma_semaphore, #tpu.memory_space<semaphore_mem>>)
      %add3A_417 = arith.constant 5 : i32
      %add3A_418 = arith.addi %add3A_376, %add3A_417 : i32
      %lt3A_419 = arith.constant 200 : i32
      %lt3A_420 = arith.cmpi slt, %add3A_418, %lt3A_419 : i32
      %convert_element_type3A_421 = arith.extui %lt3A_420 : i1 to i32
      %cond3A_422 = arith.constant 0 : i32
      %cond3A_423 = arith.cmpi ne, %convert_element_type3A_421, %cond3A_422 : i32
      scf.if %cond3A_423 {
        %add3A_424 = arith.constant 5 : i32
        %add3A_425 = arith.addi %add3A_376, %add3A_424 : i32
        %mul3A_426 = arith.constant 128 : i32
        %mul3A_427 = arith.muli %add3A_425, %mul3A_426 : i32
        %dma_start3A_428 = arith.constant 4 : i32
        %dma_start3A_429 = arith.constant 4 : i32
        %dma_start3A_430 = arith.constant 0 : i32
        %dma_start3A_431 = arith.constant 0 : i32
        %dma_start3A_432 = tpu.memref_slice %arg7[%dma_start3A_428, %dma_start3A_430, %dma_start3A_431] : memref<5x128x64xf32, #tpu.memory_space<vmem>> -> memref<1x128x64xf32, #tpu.memory_space<vmem>>
        %dma_start3A_433 = tpu.memref_squeeze %dma_start3A_432 : memref<1x128x64xf32, #tpu.memory_space<vmem>> -> memref<128x64xf32, #tpu.memory_space<vmem>>
        %dma_start3A_434 = tpu.memref_slice %arg6[%mul3A_427] : memref<25600xi32, #tpu.memory_space<vmem>> -> memref<128xi32, #tpu.memory_space<vmem>>
        %dma_start3A_435 = arith.constant 0 : i32
        %dma_start3A_436 = arith.constant 0 : i32
        %dma_start3A_437 = tpu.memref_slice %arg3[%dma_start3A_435, %dma_start3A_436] : memref<1000000x64xf32, #tpu.memory_space<hbm>> -> memref<1000000x64xf32, #tpu.memory_space<hbm>>
        %dma_start3A_438 = tpu.memref_slice %arg9[%dma_start3A_429] : memref<5x!tpu.dma_semaphore, #tpu.memory_space<semaphore_mem>> -> memref<1x!tpu.dma_semaphore, #tpu.memory_space<semaphore_mem>>
        %dma_start3A_439 = tpu.memref_squeeze %dma_start3A_438 : memref<1x!tpu.dma_semaphore, #tpu.memory_space<semaphore_mem>> -> memref<!tpu.dma_semaphore, #tpu.memory_space<semaphore_mem>>
        tpu.enqueue_indirect_dma source(%dma_start3A_437 : memref<1000000x64xf32, #tpu.memory_space<hbm>>) target(%dma_start3A_433 : memref<128x64xf32, #tpu.memory_space<vmem>>) offsets(%dma_start3A_434 : memref<128xi32, #tpu.memory_space<vmem>>) semaphore(%dma_start3A_439 : memref<!tpu.dma_semaphore, #tpu.memory_space<semaphore_mem>>)
      } else {
      }
    }
    %scan3A_83 = arith.constant 40 : i32
    %dma_wait3A = arith.constant 0 : i32
    %dma_wait3A_84 = arith.constant 0 : i32
    %dma_wait3A_85 = arith.constant 0 : i32
    %dma_wait3A_86 = arith.constant 0 : i32
    %dma_wait3A_87 = tpu.memref_slice %arg8[%dma_wait3A, %dma_wait3A_85, %dma_wait3A_86] : memref<5x128x64xf32, #tpu.memory_space<vmem>> -> memref<1x128x64xf32, #tpu.memory_space<vmem>>
    %dma_wait3A_88 = tpu.memref_squeeze %dma_wait3A_87 : memref<1x128x64xf32, #tpu.memory_space<vmem>> -> memref<128x64xf32, #tpu.memory_space<vmem>>
    %dma_wait3A_89 = arith.constant 0 : i32
    %dma_wait3A_90 = arith.constant 0 : i32
    %dma_wait3A_91 = tpu.memref_slice %arg5[%dma_wait3A_89, %dma_wait3A_90] : memref<819200x128xf32, #tpu.memory_space<hbm>> -> memref<128x64xf32, #tpu.memory_space<hbm>>
    %dma_wait3A_92 = tpu.memref_slice %arg10[%dma_wait3A_84] : memref<5x!tpu.dma_semaphore, #tpu.memory_space<semaphore_mem>> -> memref<1x!tpu.dma_semaphore, #tpu.memory_space<semaphore_mem>>
    %dma_wait3A_93 = tpu.memref_squeeze %dma_wait3A_92 : memref<1x!tpu.dma_semaphore, #tpu.memory_space<semaphore_mem>> -> memref<!tpu.dma_semaphore, #tpu.memory_space<semaphore_mem>>
    %dma_wait3A_94 = arith.constant 0 : i32
    %dma_wait3A_95 = arith.constant 0 : i32
    %dma_wait3A_96 = tpu.memref_slice %arg5[%dma_wait3A_94, %dma_wait3A_95] : memref<819200x128xf32, #tpu.memory_space<hbm>> -> memref<128x64xf32, #tpu.memory_space<hbm>>
    %dma_wait3A_97 = arith.constant 0 : i32
    %dma_wait3A_98 = arith.constant 0 : i32
    %dma_wait3A_99 = tpu.memref_slice %arg8[%dma_wait3A, %dma_wait3A_97, %dma_wait3A_98] : memref<5x128x64xf32, #tpu.memory_space<vmem>> -> memref<1x128x64xf32, #tpu.memory_space<vmem>>
    %dma_wait3A_100 = tpu.memref_squeeze %dma_wait3A_99 : memref<1x128x64xf32, #tpu.memory_space<vmem>> -> memref<128x64xf32, #tpu.memory_space<vmem>>
    tpu.wait_dma2 semaphore(%dma_wait3A_93 : memref<!tpu.dma_semaphore, #tpu.memory_space<semaphore_mem>>) src(%dma_wait3A_100 : memref<128x64xf32, #tpu.memory_space<vmem>>) dst(%dma_wait3A_96 : memref<128x64xf32, #tpu.memory_space<hbm>>)
    %dma_wait3A_101 = arith.constant 1 : i32
    %dma_wait3A_102 = arith.constant 1 : i32
    %dma_wait3A_103 = arith.constant 0 : i32
    %dma_wait3A_104 = arith.constant 0 : i32
    %dma_wait3A_105 = tpu.memref_slice %arg8[%dma_wait3A_101, %dma_wait3A_103, %dma_wait3A_104] : memref<5x128x64xf32, #tpu.memory_space<vmem>> -> memref<1x128x64xf32, #tpu.memory_space<vmem>>
    %dma_wait3A_106 = tpu.memref_squeeze %dma_wait3A_105 : memref<1x128x64xf32, #tpu.memory_space<vmem>> -> memref<128x64xf32, #tpu.memory_space<vmem>>
    %dma_wait3A_107 = arith.constant 0 : i32
    %dma_wait3A_108 = arith.constant 0 : i32
    %dma_wait3A_109 = tpu.memref_slice %arg5[%dma_wait3A_107, %dma_wait3A_108] : memref<819200x128xf32, #tpu.memory_space<hbm>> -> memref<128x64xf32, #tpu.memory_space<hbm>>
    %dma_wait3A_110 = tpu.memref_slice %arg10[%dma_wait3A_102] : memref<5x!tpu.dma_semaphore, #tpu.memory_space<semaphore_mem>> -> memref<1x!tpu.dma_semaphore, #tpu.memory_space<semaphore_mem>>
    %dma_wait3A_111 = tpu.memref_squeeze %dma_wait3A_110 : memref<1x!tpu.dma_semaphore, #tpu.memory_space<semaphore_mem>> -> memref<!tpu.dma_semaphore, #tpu.memory_space<semaphore_mem>>
    %dma_wait3A_112 = arith.constant 0 : i32
    %dma_wait3A_113 = arith.constant 0 : i32
    %dma_wait3A_114 = tpu.memref_slice %arg5[%dma_wait3A_112, %dma_wait3A_113] : memref<819200x128xf32, #tpu.memory_space<hbm>> -> memref<128x64xf32, #tpu.memory_space<hbm>>
    %dma_wait3A_115 = arith.constant 0 : i32
    %dma_wait3A_116 = arith.constant 0 : i32
    %dma_wait3A_117 = tpu.memref_slice %arg8[%dma_wait3A_101, %dma_wait3A_115, %dma_wait3A_116] : memref<5x128x64xf32, #tpu.memory_space<vmem>> -> memref<1x128x64xf32, #tpu.memory_space<vmem>>
    %dma_wait3A_118 = tpu.memref_squeeze %dma_wait3A_117 : memref<1x128x64xf32, #tpu.memory_space<vmem>> -> memref<128x64xf32, #tpu.memory_space<vmem>>
    tpu.wait_dma2 semaphore(%dma_wait3A_111 : memref<!tpu.dma_semaphore, #tpu.memory_space<semaphore_mem>>) src(%dma_wait3A_118 : memref<128x64xf32, #tpu.memory_space<vmem>>) dst(%dma_wait3A_114 : memref<128x64xf32, #tpu.memory_space<hbm>>)
    %dma_wait3A_119 = arith.constant 2 : i32
    %dma_wait3A_120 = arith.constant 2 : i32
    %dma_wait3A_121 = arith.constant 0 : i32
    %dma_wait3A_122 = arith.constant 0 : i32
    %dma_wait3A_123 = tpu.memref_slice %arg8[%dma_wait3A_119, %dma_wait3A_121, %dma_wait3A_122] : memref<5x128x64xf32, #tpu.memory_space<vmem>> -> memref<1x128x64xf32, #tpu.memory_space<vmem>>
    %dma_wait3A_124 = tpu.memref_squeeze %dma_wait3A_123 : memref<1x128x64xf32, #tpu.memory_space<vmem>> -> memref<128x64xf32, #tpu.memory_space<vmem>>
    %dma_wait3A_125 = arith.constant 0 : i32
    %dma_wait3A_126 = arith.constant 0 : i32
    %dma_wait3A_127 = tpu.memref_slice %arg5[%dma_wait3A_125, %dma_wait3A_126] : memref<819200x128xf32, #tpu.memory_space<hbm>> -> memref<128x64xf32, #tpu.memory_space<hbm>>
    %dma_wait3A_128 = tpu.memref_slice %arg10[%dma_wait3A_120] : memref<5x!tpu.dma_semaphore, #tpu.memory_space<semaphore_mem>> -> memref<1x!tpu.dma_semaphore, #tpu.memory_space<semaphore_mem>>
    %dma_wait3A_129 = tpu.memref_squeeze %dma_wait3A_128 : memref<1x!tpu.dma_semaphore, #tpu.memory_space<semaphore_mem>> -> memref<!tpu.dma_semaphore, #tpu.memory_space<semaphore_mem>>
    %dma_wait3A_130 = arith.constant 0 : i32
    %dma_wait3A_131 = arith.constant 0 : i32
    %dma_wait3A_132 = tpu.memref_slice %arg5[%dma_wait3A_130, %dma_wait3A_131] : memref<819200x128xf32, #tpu.memory_space<hbm>> -> memref<128x64xf32, #tpu.memory_space<hbm>>
    %dma_wait3A_133 = arith.constant 0 : i32
    %dma_wait3A_134 = arith.constant 0 : i32
    %dma_wait3A_135 = tpu.memref_slice %arg8[%dma_wait3A_119, %dma_wait3A_133, %dma_wait3A_134] : memref<5x128x64xf32, #tpu.memory_space<vmem>> -> memref<1x128x64xf32, #tpu.memory_space<vmem>>
    %dma_wait3A_136 = tpu.memref_squeeze %dma_wait3A_135 : memref<1x128x64xf32, #tpu.memory_space<vmem>> -> memref<128x64xf32, #tpu.memory_space<vmem>>
    tpu.wait_dma2 semaphore(%dma_wait3A_129 : memref<!tpu.dma_semaphore, #tpu.memory_space<semaphore_mem>>) src(%dma_wait3A_136 : memref<128x64xf32, #tpu.memory_space<vmem>>) dst(%dma_wait3A_132 : memref<128x64xf32, #tpu.memory_space<hbm>>)
    %dma_wait3A_137 = arith.constant 3 : i32
    %dma_wait3A_138 = arith.constant 3 : i32
    %dma_wait3A_139 = arith.constant 0 : i32
    %dma_wait3A_140 = arith.constant 0 : i32
    %dma_wait3A_141 = tpu.memref_slice %arg8[%dma_wait3A_137, %dma_wait3A_139, %dma_wait3A_140] : memref<5x128x64xf32, #tpu.memory_space<vmem>> -> memref<1x128x64xf32, #tpu.memory_space<vmem>>
    %dma_wait3A_142 = tpu.memref_squeeze %dma_wait3A_141 : memref<1x128x64xf32, #tpu.memory_space<vmem>> -> memref<128x64xf32, #tpu.memory_space<vmem>>
    %dma_wait3A_143 = arith.constant 0 : i32
    %dma_wait3A_144 = arith.constant 0 : i32
    %dma_wait3A_145 = tpu.memref_slice %arg5[%dma_wait3A_143, %dma_wait3A_144] : memref<819200x128xf32, #tpu.memory_space<hbm>> -> memref<128x64xf32, #tpu.memory_space<hbm>>
    %dma_wait3A_146 = tpu.memref_slice %arg10[%dma_wait3A_138] : memref<5x!tpu.dma_semaphore, #tpu.memory_space<semaphore_mem>> -> memref<1x!tpu.dma_semaphore, #tpu.memory_space<semaphore_mem>>
    %dma_wait3A_147 = tpu.memref_squeeze %dma_wait3A_146 : memref<1x!tpu.dma_semaphore, #tpu.memory_space<semaphore_mem>> -> memref<!tpu.dma_semaphore, #tpu.memory_space<semaphore_mem>>
    %dma_wait3A_148 = arith.constant 0 : i32
    %dma_wait3A_149 = arith.constant 0 : i32
    %dma_wait3A_150 = tpu.memref_slice %arg5[%dma_wait3A_148, %dma_wait3A_149] : memref<819200x128xf32, #tpu.memory_space<hbm>> -> memref<128x64xf32, #tpu.memory_space<hbm>>
    %dma_wait3A_151 = arith.constant 0 : i32
    %dma_wait3A_152 = arith.constant 0 : i32
    %dma_wait3A_153 = tpu.memref_slice %arg8[%dma_wait3A_137, %dma_wait3A_151, %dma_wait3A_152] : memref<5x128x64xf32, #tpu.memory_space<vmem>> -> memref<1x128x64xf32, #tpu.memory_space<vmem>>
    %dma_wait3A_154 = tpu.memref_squeeze %dma_wait3A_153 : memref<1x128x64xf32, #tpu.memory_space<vmem>> -> memref<128x64xf32, #tpu.memory_space<vmem>>
    tpu.wait_dma2 semaphore(%dma_wait3A_147 : memref<!tpu.dma_semaphore, #tpu.memory_space<semaphore_mem>>) src(%dma_wait3A_154 : memref<128x64xf32, #tpu.memory_space<vmem>>) dst(%dma_wait3A_150 : memref<128x64xf32, #tpu.memory_space<hbm>>)
    %dma_wait3A_155 = arith.constant 4 : i32
    %dma_wait3A_156 = arith.constant 4 : i32
    %dma_wait3A_157 = arith.constant 0 : i32
    %dma_wait3A_158 = arith.constant 0 : i32
    %dma_wait3A_159 = tpu.memref_slice %arg8[%dma_wait3A_155, %dma_wait3A_157, %dma_wait3A_158] : memref<5x128x64xf32, #tpu.memory_space<vmem>> -> memref<1x128x64xf32, #tpu.memory_space<vmem>>
    %dma_wait3A_160 = tpu.memref_squeeze %dma_wait3A_159 : memref<1x128x64xf32, #tpu.memory_space<vmem>> -> memref<128x64xf32, #tpu.memory_space<vmem>>
    %dma_wait3A_161 = arith.constant 0 : i32
    %dma_wait3A_162 = arith.constant 0 : i32
    %dma_wait3A_163 = tpu.memref_slice %arg5[%dma_wait3A_161, %dma_wait3A_162] : memref<819200x128xf32, #tpu.memory_space<hbm>> -> memref<128x64xf32, #tpu.memory_space<hbm>>
    %dma_wait3A_164 = tpu.memref_slice %arg10[%dma_wait3A_156] : memref<5x!tpu.dma_semaphore, #tpu.memory_space<semaphore_mem>> -> memref<1x!tpu.dma_semaphore, #tpu.memory_space<semaphore_mem>>
    %dma_wait3A_165 = tpu.memref_squeeze %dma_wait3A_164 : memref<1x!tpu.dma_semaphore, #tpu.memory_space<semaphore_mem>> -> memref<!tpu.dma_semaphore, #tpu.memory_space<semaphore_mem>>
    %dma_wait3A_166 = arith.constant 0 : i32
    %dma_wait3A_167 = arith.constant 0 : i32
    %dma_wait3A_168 = tpu.memref_slice %arg5[%dma_wait3A_166, %dma_wait3A_167] : memref<819200x128xf32, #tpu.memory_space<hbm>> -> memref<128x64xf32, #tpu.memory_space<hbm>>
    %dma_wait3A_169 = arith.constant 0 : i32
    %dma_wait3A_170 = arith.constant 0 : i32
    %dma_wait3A_171 = tpu.memref_slice %arg8[%dma_wait3A_155, %dma_wait3A_169, %dma_wait3A_170] : memref<5x128x64xf32, #tpu.memory_space<vmem>> -> memref<1x128x64xf32, #tpu.memory_space<vmem>>
    %dma_wait3A_172 = tpu.memref_squeeze %dma_wait3A_171 : memref<1x128x64xf32, #tpu.memory_space<vmem>> -> memref<128x64xf32, #tpu.memory_space<vmem>>
    tpu.wait_dma2 semaphore(%dma_wait3A_165 : memref<!tpu.dma_semaphore, #tpu.memory_space<semaphore_mem>>) src(%dma_wait3A_172 : memref<128x64xf32, #tpu.memory_space<vmem>>) dst(%dma_wait3A_168 : memref<128x64xf32, #tpu.memory_space<hbm>>)
    return
  }
}

</mosaic_0001>

<sc_bundles>
// kernel: kernel.3.cloned.1.call-start
scs
__scs_entry_jumppad:
0x0: {  	(pc) =	sbr.rel $0x88, $3  }
0x1: {  	(tag) =	ssettag $0x0;
	lr =	simm.s32 $0x1  }
0x2: {  	[smem:$0x3F9F] =	sst lr;
	_ =	strace $0xD0000000  }
0x3: {  	_ = 	snop  }
0x4: {  	_ = 	snop  }
0x5: {  	_ = 	snop  }
0x6: {  	_ = 	snop  }
0x7: {  	_ = 	snop  }
__scs_overlays_trampoline_lowered:
0x8: {  	[smem:$0x3FAE] =	sst s0  }
0x9: {  	[smem:$0x3FAF] =	sst s1  }
0xa: {  	[smem:$0x3FB0] =	sst s2  }
0xb: {  	[smem:$0x3FB1] =	sst s3  }
0xc: {  	[smem:$0x3FB2] =	sst s4  }
0xd: {  	[smem:$0x3FB3] =	sst s5  }
0xe: {  	[smem:$0x3FB4] =	sst s6  }
0xf: {  	[smem:$0x3FB5] =	sst s7  }
0x10: {  	[smem:$0x3FB6] =	sst s8  }
0x11: {  	[smem:$0x3FB7] =	sst s9;
	s0 =	simm.s32 @!p0 $0x0  }
0x12: {  	s1 =	sld [smem:$0x3F9D];
	s0 =	simm.s32 @p0 $0x1  }
0x13: {  	[smem:$0x3FB8] =	sst s0;
	s0 =	simm.s32 @!p1 $0x0  }
0x14: {  	s2 =	sld [smem:$0x3F9C];
	s0 =	simm.s32 @p1 $0x1  }
0x15: {  	[smem:$0x3FB9] =	sst s0;
	s0 =	simm.s32 @!p2 $0x0  }
0x16: {  	s3 =	sld [smem:$0x3FDB];
	s0 =	simm.s32 @p2 $0x1  }
0x17: {  	s4 =	simm.s32 $0x1BF5;
	[smem:$0x3FBB] =	sst s0  }
0x18: {  	s0 =	sld [smem:$0x3F9E];
	_ =	swait.ge [sflag:s4], $0x0  }
0x19: {  	s7 =	sld [smem:$0x3F9F]  }
0x1a: {  	s8 =	sadd.s32 $0xFFFFE003, lr  }
0x1b: {  	s9 =	sadd.s32 $0xFFFFFEF7, lr;
	s5 =	simm.s32 $0xFFFFFFFF;
	p2 =	slt.u32 s8, $0xFFFFF086  }
0x1c: {  	p1 =	slt.u32 s9, $0xF7A;
	s5 =	simm.s32 @!p2 $0x0  }
0x1d: {  	s5 =	simm.s32 @p1 $0x1;
	p0 =	seq.s32 s7, s2  }
0x1e: {  	s7 =	smul.u32 @!p0 $0xF7A, s2;
	p2 =	seq.s32 @!p0 s5, $0x0  }
0x1f: {  	s9 =	smul.u32 $0xF7A, s1;
	s8 =	simm.s32 @!p0 $0x1BF5;
	p2 =	por !p2, p0  }
0x20: {  	[sflag:s8] =	ssyncset.s32 @!p0 $0xFFFFF086;
	s6 =	sadd.s32 @!p0 s3, s7;
	s7 =	simm.s32 @!p0 $0x108  }
0x21: {  	s3 =	sadd.s32 s3, s9;
	s6 =	sadd.s32 @!p0 $0x88, s6;
	s7 =	simm.s32 @p2 $0x1082  }
0x22: {  	[simem:s7], [sflag:s8] =	dma.local @!p0 [hbm:s6], $0xF7A  }
0x23: {  	s9 =	sor.u32 $0xD0000000, s2;
	s6 =	simm.s32 $0x108;
	_ =	swait.ge @!p0 [sflag:s8], $0x0  }
0x24: {  	s3 =	sadd.s32 $0x88, s3;
	s6 =	simm.s32 @!p1 $0x1082;
	[sflag:s4] =	ssyncset.s32 $0xFFFFF086  }
0x25: {  	[simem:s6], [sflag:s4] =	dma.local [hbm:s3], $0xF7A  }
0x26: {  	[smem:$0x3F9F] =	sst s1;
	(tag) =	ssettag s2;
	_ =	strace s9  }
0x27: {  	s1 =	sld [smem:$0x3FAF]  }
0x28: {  	s2 =	sld [smem:$0x3FB0]  }
0x29: {  	s4 =	sld [smem:$0x3FB2]  }
0x2a: {  	p0 =	seq.s32 s5, $0x0;
	s5 =	sld [smem:$0x3FB3]  }
0x2b: {  	s6 =	sld [smem:$0x3FB4]  }
0x2c: {  	s7 =	sld [smem:$0x3FB5]  }
0x2d: {  	s3 =	simm.s32 $0x108;
	s8 =	sld [smem:$0x3FB6]  }
0x2e: {  	s3 =	simm.s32 @!p0 $0x1082;
	s9 =	sld [smem:$0x3FB7]  }
0x2f: {  	lr =	sadd.s32 s0, s3;
	s0 =	sld [smem:$0x3FAE]  }
0x30: {  	s3 =	sld [smem:$0x3FB1]  }
0x31: {  	[smem:$0x3FBA] =	sst s10  }
0x32: {  	s10 =	sld [smem:$0x3FB8];
	_ =	sdelay $0x3  }
0x33: {  	p0 =	seq.s32 s10, $0x1;
	s10 =	sld [smem:$0x3FBA];
	_ =	sdelay $0x3  }
0x34: {  	[smem:$0x3FBA] =	sst s10  }
0x35: {  	s10 =	sld [smem:$0x3FB9];
	_ =	sdelay $0x3  }
0x36: {  	p1 =	seq.s32 s10, $0x1;
	s10 =	sld [smem:$0x3FBA];
	_ =	sdelay $0x3  }
0x37: {  	[smem:$0x3FBA] =	sst s10  }
0x38: {  	s10 =	sld [smem:$0x3FBB]  }
0x39: {  	_ = 	snop;
	(pc) =	sbr.ind lr, $3  }
0x3a: {  	_ = 	snop  }
0x3b: {  	_ = 	snop  }
0x3c: {  	p2 =	seq.s32 s10, $0x1;
	s10 =	sld [smem:$0x3FBA]  }
0x3d: {  	_ =	shalt  }
0x3e: {  	_ =	shalt  }
0x3f: {  	_ =	shalt  }
0x40: {  	_ =	shalt  }
0x41: {  	_ =	shalt  }
0x42: {  	_ =	shalt  }
0x43: {  	_ =	shalt  }
0x44: {  	_ =	shalt  }
0x45: {  	_ =	shalt  }
0x46: {  	_ =	shalt  }
0x47: {  	_ =	shalt  }
0x48: {  	_ =	shalt  }
0x49: {  	_ =	shalt  }
0x4a: {  	_ =	shalt  }
0x4b: {  	_ =	shalt  }
0x4c: {  	_ =	shalt  }
0x4d: {  	_ =	shalt  }
0x4e: {  	_ =	shalt  }
0x4f: {  	_ =	shalt  }
0x50: {  	_ =	shalt  }
0x51: {  	_ =	shalt  }
0x52: {  	_ =	shalt  }
0x53: {  	_ =	shalt  }
0x54: {  	_ =	shalt  }
0x55: {  	_ =	shalt  }
0x56: {  	_ =	shalt  }
0x57: {  	_ =	shalt  }
0x58: {  	_ =	shalt  }
0x59: {  	_ =	shalt  }
0x5a: {  	_ =	shalt  }
0x5b: {  	_ =	shalt  }
0x5c: {  	_ =	shalt  }
0x5d: {  	_ =	shalt  }
0x5e: {  	_ =	shalt  }
0x5f: {  	_ =	shalt  }
0x60: {  	_ =	shalt  }
0x61: {  	_ =	shalt  }
0x62: {  	_ =	shalt  }
0x63: {  	_ =	shalt  }
0x64: {  	_ =	shalt  }
0x65: {  	_ =	shalt  }
0x66: {  	_ =	shalt  }
0x67: {  	_ =	shalt  }
0x68: {  	_ =	shalt  }
0x69: {  	_ =	shalt  }
0x6a: {  	_ =	shalt  }
0x6b: {  	_ =	shalt  }
0x6c: {  	_ =	shalt  }
0x6d: {  	_ =	shalt  }
0x6e: {  	_ =	shalt  }
0x6f: {  	_ =	shalt  }
0x70: {  	_ =	shalt  }
0x71: {  	_ =	shalt  }
0x72: {  	_ =	shalt  }
0x73: {  	_ =	shalt  }
0x74: {  	_ =	shalt  }
0x75: {  	_ =	shalt  }
0x76: {  	_ =	shalt  }
0x77: {  	_ =	shalt  }
0x78: {  	_ =	shalt  }
0x79: {  	_ =	shalt  }
0x7a: {  	_ =	shalt  }
0x7b: {  	_ =	shalt  }
0x7c: {  	_ =	shalt  }
0x7d: {  	_ =	shalt  }
0x7e: {  	_ =	shalt  }
0x7f: {  	_ =	shalt  }
0x80: {  	_ =	shalt  }
0x81: {  	_ =	shalt  }
0x82: {  	_ =	shalt  }
0x83: {  	_ =	shalt  }
0x84: {  	_ =	shalt  }
0x85: {  	_ =	shalt  }
0x86: {  	_ =	shalt  }
0x87: {  	_ =	shalt  }
.Lfunc_end0:
.L_simem_size_0:
called_computation.1_lowered:
.L_overlay_start_0:
0x88: {  	s2 =	sld [smem:$0x3FD9]  }
0x89: {  	s3 =	sld [smem:$0x3FFE];
	_ =	sdelay $0x1  }
0x8a: {  	s1 =	srdreg.scid  }
0x8b: {  	s0 =	sand.u32 $0x1, s1  }
0x8c: {  	s17 =	sshll.u32 s0, $0xA;
	s2 =	sadd.s32 s3, s2  }
0x8d: {  	s2 =	sadd.s32 s2, s17  }
0x8e: {  	[smem:$0x3FC6] =	sst s2  }
0x8f: {  	_ = 	snop  }
0x90: {  	s2 =	sld [smem:$0x3FD0];
	(tm) =	ssettm $0x1  }
0x91: {  	s18 =	sld [smem:$0x3FFB];
	_ =	sdelay $0x3  }
0x92: {  	_ =	strace s18  }
0x93: {  	s3 =	sld [smem:$0x3FFC];
	_ =	sdelay $0x3  }
0x94: {  	_ =	strace s3  }
0x95: {  	s3 =	sld [smem:$0x3FFD];
	_ =	sdelay $0x3  }
0x96: {  	_ =	strace s3  }
0x97: {  	_ =	strace $0x8FFFFFFF  }
0x98: {  	s19 =	sld [smem:$0x3FDB];
	_ =	sdelay $0x1  }
0x99: {  	s4 =	simm.s32 $_scs_section_size  }
0x9a: {  	s5 =	simm.s32 $_size__tile_overlayer_lowered;
	s6 =	simm.s32 $_tile_overlayer_lowered  }
0x9b: {  	s22 =	simm.s32 $0x1BFF;
	s21 =	sshll.u32 s6, $0x1;
	s3 =	sadd.s32 s4, s19  }
0x9c: {  	s7 =	simm.s32 $0x0;
	s20 =	sshll.u32 s5, $0x1;
	s5 =	sadd.s32 s21, s3  }
0x9d: {  	[timem:s7], [sflag:s22] =	dma.local [hbm:s5], s20  }
0x9e: {  	_ =	swait.ge [sflag:s22], s20  }
0x9f: {  	s4 =	ssub.s32 $0x0, s20;
	[sflag:s22] =	ssyncset.done $0x0  }
0xa0: {  	[sflag:s22] =	ssyncadd.s32 s4;
	_ =	sdelay $0x1  }
0xa1: {  	s23 =	simm.s32 $0x1B8B  }
0xa2: {  	_ =	swait.ge [sflag:s23], $0x1  }
0xa3: {  	[sflag:s23] =	ssyncset.done $0x0  }
0xa4: {  	s25 =	simm.s32 $0x1B8E;
	s24 =	sld [smem:$0x3FFE];
	[sflag:s23] =	ssyncadd.s32 $0xFFFFFFFF  }
0xa5: {  	s26 =	simm.s32 $execute0_lowered;
	[smem:$0x3FD2] =	sst s25  }
0xa6: {  	s5 =	sshll.u32 s26, $0x1;
	_ =	strace $0x80000046;
	[dreg:$0x1] =	wrdreg $0xFFFFFFFF  }
0xa7: {  	s28 =	simm.s32 $_size_execute0_lowered;
	s3 =	sadd.s32 s3, s5;
	[dreg:$0x0] =	wrdreg $0x0  }
0xa8: {  	s5 =	sshll.u32 s28, $0x1;
	[dreg:$0x2] =	wrdreg s3  }
0xa9: {  	[dreg:$0x3] =	wrdreg s5  }
0xaa: {  	[dreg:$0x4] =	wrdreg $0xC0  }
0xab: {  	_ =	task [dreg:s7], $0x5FFFF  }
0xac: {  	[dreg:$0x1] =	wrdreg $0xFFFFFFFF  }
0xad: {  	[dreg:$0x0] =	wrdreg $0x60  }
0xae: {  	[dreg:$0x2] =	wrdreg s2  }
0xaf: {  	[dreg:$0x3] =	wrdreg s24  }
0xb0: {  	[dreg:$0x4] =	wrdreg $0x9  }
0xb1: {  	_ =	task.clear_ibuf [dreg:s7], $0x5FFFF;
	_ =	strace $0x90000046  }
0xb2: {  	s29 =	simm.s32 $0x9;
	_ =	strace $0x80000048  }
0xb3: {  	_ =	swait.ge [sflag:s29], $0x1  }
0xb4: {  	[sflag:s29] =	ssyncadd.s32 $0xFFFFFFFF  }
0xb5: {  	_ =	strace $0x90000048  }
0xb6: {  	_ =	sfence  }
0xb7: {  	s30 =	sld [smem:$0x0];
	_ =	sdelay $0x2  }
0xb8: {  	s31 =	sshll.u32 s1, $0xD;
	s1 =	sshrl.u32 s1, $0x2  }
0xb9: {  	s3 =	sand.u32 $0x4000, s31;
	s1 =	sadd.s32 s1, s30  }
0xba: {  	s0 =	sor.u32 s3, s0;
	s1 =	sshll.u32 s1, $0x11  }
0xbb: {  	s0 =	sor.u32 s1, s0  }
0xbc: {  	s0 =	sadd.s32 $0x8F2B, s0  }
0xbd: {  	[sflag:s0] =	ssyncadd.remote.s32 $0x1  }
0xbe: {  	_ =	sfence.sel $0xFFFF  }
0xbf: {  	[dreg:$0x0] =	wrdreg $0xFFFFFFFF;
	(pc) =	sbr.abs _section_cstart, $3  }
0xc0: {  	[dreg:$0x1] =	wrdreg $0xFFFFFFFF  }
0xc1: {  	_ =	task.clear_ibuf [dreg:s7], $0x2FFFF;
	_ =	strace $0x9FFFFFFF  }
0xc2: {  	(tm) =	ssettm $0x7FFFFFFF  }
0xc3: {  	_ =	shalt  }
tec
execute0_lowered:
.L_overlay_start_1:
0x0: {  	(tag) =	ssettag $0x1  }
0x1: {  	s0 =	rddreg [dreg:$0x0];
	s1 =	srdreg.scid  }
0x2: {  	s3 =	stileid.u32;
	s2 =	rddreg [dreg:$0x1];
	s4 =	simm.s32 $0x0  }
0x3: {  	s15 =	simm.s32 $0x80;
	s21 =	simm.s32 $0xC400;
	s23 =	simm.s32 $0xE400  }
0x4: {  	s24 =	simm.s32 $0x1;
	s28 =	simm.s32 $0x2;
	s29 =	simm.s32 $0x7  }
0x5: {  	s30 =	simm.s32 $0x12400;
	s31 =	simm.s32 $0x3;
	s13 =	simm.s32 $0x4  }
0x6: {  	s18 =	simm.s32 $0x9;
	s20 =	simm.s32 $0x16400;
	s22 =	simm.s32 $0x5  }
0x7: {  	s12 =	simm.s32 $0x0;
	s1 =	sand.u32 $0x1, s1;
	s3 =	sshll.u32 s3, $0x1  }
0x8: {  	[smem:$0x7FF] =	sst s4;
	s4 =	sadd.s32 $0xF42E00, s2;
	s5 =	sadd.s32 $0xA00, s2  }
0x9: {  	s6 =	sadd.s32 $0xC00, s2;
	s3 =	sor.u32 s1, s3;
	s1 =	ssub.s32 $0x2, s1  }
0xa: {  	_ =	strace $0x80000047;
	s3 =	smul.u32 $0x6400, s3;
	s25 =	sshrl.u32 s1, $0x1  }
0xb: {  	[dreg:$0x3] =	wrdreg s5;
	s5 =	simm.s32 $0xA;
	s1 =	ssub.s32 s1, s25  }
.Ltmp0:
0xc: {  	s25 =	simm.s32 $0x40;
	s7 =	sshrl.u32 s3, $0x3;
	(pc) =	sbr.rel .LBB2_1-.Ltmp0, $4  }
0xd: {  	s8 =	sor.u32 $0x80, s3;
	s9 =	sor.u32 $0x100, s3;
	s10 =	sor.u32 $0x180, s3  }
0xe: {  	s11 =	sor.u32 $0x200, s3;
	s26 =	smax.u32 s1, $0x1;
	s1 =	simm.s32 $0x8  }
0xf: {  	s0 =	sadd.s32 s0, s7;
	[dreg:$0x5] =	wrdreg s26;
	s26 =	simm.s32 $0x10400  }
0x10: {  	s7 =	simm.s32 $0x18400;
	[dreg:$0x4] =	wrdreg s0;
	s0 =	simm.s32 $0x14400  }
.LBB2_30:
0x11: {  	s2 =	simm.s32 $0x6  }
0x12: {  	_ =	swait.ge [sflag:s2], $0x2000  }
0x13: {  	[sflag:s2] =	ssyncset.done $0x0  }
0x14: {  	[sflag:s2] =	ssyncadd.s32 $0xFFFFE000  }
0x15: {  	_ =	swait.ge [sflag:s29], $0x2000  }
0x16: {  	[sflag:s29] =	ssyncset.done $0x0  }
0x17: {  	[sflag:s29] =	ssyncadd.s32 $0xFFFFE000  }
0x18: {  	_ =	swait.ge [sflag:s1], $0x2000  }
0x19: {  	[sflag:s1] =	ssyncset.done $0x0  }
0x1a: {  	[sflag:s1] =	ssyncadd.s32 $0xFFFFE000  }
0x1b: {  	_ =	swait.ge [sflag:s18], $0x2000  }
0x1c: {  	[sflag:s18] =	ssyncset.done $0x0  }
0x1d: {  	[sflag:s18] =	ssyncadd.s32 $0xFFFFE000  }
0x1e: {  	_ =	swait.ge [sflag:s5], $0x2000  }
0x1f: {  	s12 =	rddreg [dreg:$0x6]  }
0x20: {  	s19 =	rddreg [dreg:$0x5];
	s12 =	sadd.s32 $0x1, s12  }
0x21: {  	p0 =	sne.s32 s12, s19  }
.Ltmp1:
0x22: {  	_ = 	snop;
	(pc) =	sbr.rel @!p0 .LBB2_31-.Ltmp1, $3  }
0x23: {  	_ =	sdelay $0x1  }
0x24: {  	[sflag:s5] =	ssyncset.done $0x0  }
0x25: {  	[sflag:s5] =	ssyncadd.s32 $0xFFFFE000  }
.LBB2_1:
0x26: {  	[dreg:$0x6] =	wrdreg s12;
	s2 =	simm.s32 $0x0  }
0x27: {  	s19 =	rddreg [dreg:$0x3];
	s14 =	simm.s32 $0x1A400;
	s16 =	simm.s32 $0xB  }
0x28: {  	[tilespmem:s14], [sflag:$0xB] =	stream.linear.gather [hbm4b:s19+s2], $0x1, $0x38;
	[tilespmem:$0x1A410] =	vst v63  }
0x29: {  	_ =	swait.ge [sflag:s16], $0x1  }
0x2a: {  	[sflag:s16] =	ssyncset.done $0x0  }
0x2b: {  	s17 =	rddreg [dreg:$0x4];
	[sflag:s16] =	ssyncadd.s32 $0xFFFFFFFF  }
0x2c: {  	v0 =	vld.msk [tilespmem:$0x1A400 ss:$0x0], $0xffff;
	[tilespmem:s2], [sflag:$0xB] =	stream.linear.gather [hbm4b:s17+s2], $0x6400, $0x38  }
0x2d: {  	_ =	swait.ge [sflag:s16], $0x6400  }
0x2e: {  	[sflag:s16] =	ssyncset.done $0x0  }
0x2f: {  	s19 =	simm.s32 $0x6400;
	[sflag:s16] =	ssyncadd.s32 $0xFFFF9C00  }
0x30: {  	[tilespmem:s19], [sflag:$0x1] =	stream.indirect.gather [hbm4b:s4+s15], $0x40, s2, s15, $0xb8;
	[tilespmem:$0x1A410] =	vst v63  }
0x31: {  	s12 =	simm.s32 $0x8400  }
0x32: {  	[tilespmem:s12], [sflag:$0x2] =	stream.indirect.gather [hbm4b:s4+s15], $0x40, s15, s15, $0xb8;
	[tilespmem:$0x1A410] =	vst v63  }
0x33: {  	s14 =	simm.s32 $0x100;
	s16 =	simm.s32 $0xA400  }
0x34: {  	[tilespmem:s16], [sflag:$0x3] =	stream.indirect.gather [hbm4b:s4+s15], $0x40, s14, s15, $0xb8;
	[tilespmem:$0x1A410] =	vst v63  }
0x35: {  	s17 =	simm.s32 $0x180  }
0x36: {  	[tilespmem:s21], [sflag:$0x4] =	stream.indirect.gather [hbm4b:s4+s15], $0x40, s17, s15, $0xb8;
	[tilespmem:$0x1A410] =	vst v63  }
0x37: {  	s19 =	simm.s32 $0x200;
	s12 =	simm.s32 $0x0  }
0x38: {  	[tilespmem:s23], [sflag:$0x5] =	stream.indirect.gather [hbm4b:s4+s15], $0x40, s19, s15, $0xb8;
	[tilespmem:$0x1A410] =	vst v63  }
.LBB2_2:
0x39: {  	_ =	swait.ge [sflag:s24], $0x2000  }
0x3a: {  	p0 =	seq.s32 s12, $0x0;
	[sflag:s24] =	ssyncset.done $0x0  }
0x3b: {  	s2 =	simm.s32 @!p0 $0x6;
	[sflag:s24] =	ssyncadd.s32 $0xFFFFE000  }
0x3c: {  	_ =	swait.ge @!p0 [sflag:s2], $0x2000  }
0x3d: {  	[sflag:s2] =	ssyncset.done @!p0 $0x0  }
0x3e: {  	s16 =	simm.s32 $0x6500;
	[sflag:s2] =	ssyncadd.s32 @!p0 $0xFFFFE000  }
0x3f: {  	v1 =	vld [tilespmem:s16+$0xC0]  }
0x40: {  	v2 =	vld [tilespmem:s16+$0xFFFFFF40]  }
0x41: {  	v3 =	vld [tilespmem:s16+$0xFFFFFF80]  }
0x42: {  	v4 =	vld [tilespmem:s16+$0xFFFFFFC0]  }
0x43: {  	v5 =	vld [tilespmem:s16+$0x0]  }
0x44: {  	v6 =	vld [tilespmem:s16+$0x40];
	v1 =	vmul.f32 v1, v0  }
0x45: {  	s2 =	simm.s32 $0x10500;
	v7 =	vld [tilespmem:s16+$0x80];
	v2 =	vmul.f32 v2, v0  }
0x46: {  	v8 =	vld [tilespmem:s16+$0xFFFFFF00];
	v3 =	vmul.f32 v3, v0;
	[tilespmem:s2+$0xC0] =	vst v1  }
0x47: {  	[tilespmem:s2+$0xFFFFFF40] =	vst v2;
	v1 =	vmul.f32 v4, v0;
	v2 =	vld [tilespmem:s16+$0xD0]  }
0x48: {  	[tilespmem:s2+$0xFFFFFF80] =	vst v3;
	v3 =	vmul.f32 v5, v0;
	v4 =	vld [tilespmem:s16+$0xFFFFFF50]  }
0x49: {  	v5 =	vld [tilespmem:s16+$0xFFFFFF90];
	[tilespmem:s2+$0xFFFFFFC0] =	vst v1;
	v1 =	vmul.f32 v6, v0  }
0x4a: {  	[tilespmem:s2+$0x0] =	vst v3;
	v3 =	vmul.f32 v7, v0;
	v6 =	vld [tilespmem:s16+$0xFFFFFFD0]  }
0x4b: {  	v7 =	vmul.f32 v8, v0;
	v8 =	vld [tilespmem:s16+$0x10];
	[tilespmem:s2+$0x40] =	vst v1  }
0x4c: {  	[tilespmem:s2+$0x80] =	vst v3;
	v1 =	vld [tilespmem:s16+$0x50];
	v2 =	vmul.f32 v2, v0  }
0x4d: {  	[tilespmem:s2+$0xFFFFFF00] =	vst v7;
	v3 =	vmul.f32 v4, v0;
	v4 =	vld [tilespmem:s16+$0x90]  }
0x4e: {  	v7 =	vld [tilespmem:s16+$0xFFFFFF10];
	v5 =	vmul.f32 v5, v0;
	[tilespmem:s2+$0xD0] =	vst v2  }
0x4f: {  	[tilespmem:s2+$0xFFFFFF50] =	vst v3;
	v2 =	vmul.f32 v6, v0;
	v3 =	vld [tilespmem:s16+$0xE0]  }
0x50: {  	[tilespmem:s2+$0xFFFFFF90] =	vst v5;
	v5 =	vmul.f32 v8, v0;
	v6 =	vld [tilespmem:s16+$0xFFFFFF60]  }
0x51: {  	v8 =	vld [tilespmem:s16+$0xFFFFFFA0];
	[tilespmem:s2+$0xFFFFFFD0] =	vst v2;
	v1 =	vmul.f32 v1, v0  }
0x52: {  	[tilespmem:s2+$0x10] =	vst v5;
	v2 =	vld [tilespmem:s16+$0xFFFFFFE0];
	v4 =	vmul.f32 v4, v0  }
0x53: {  	v5 =	vmul.f32 v7, v0;
	v7 =	vld [tilespmem:s16+$0x20];
	[tilespmem:s2+$0x50] =	vst v1  }
0x54: {  	v1 =	vld [tilespmem:s16+$0x60];
	[tilespmem:s2+$0x90] =	vst v4;
	v3 =	vmul.f32 v3, v0  }
0x55: {  	[tilespmem:s2+$0xFFFFFF10] =	vst v5;
	v4 =	vmul.f32 v6, v0;
	v5 =	vld [tilespmem:s16+$0xA0]  }
0x56: {  	v6 =	vld [tilespmem:s16+$0xFFFFFF20];
	v8 =	vmul.f32 v8, v0;
	[tilespmem:s2+$0xE0] =	vst v3  }
0x57: {  	[tilespmem:s2+$0xFFFFFF60] =	vst v4;
	v2 =	vmul.f32 v2, v0;
	v4 =	vld [tilespmem:s16+$0xF0]  }
0x58: {  	[tilespmem:s2+$0xFFFFFFA0] =	vst v8;
	v3 =	vmul.f32 v7, v0;
	v9 =	vld [tilespmem:s16+$0xFFFFFF70]  }
0x59: {  	v8 =	vld [tilespmem:s16+$0xFFFFFFB0];
	[tilespmem:s2+$0xFFFFFFE0] =	vst v2;
	v2 =	vmul.f32 v1, v0  }
0x5a: {  	[tilespmem:s2+$0x20] =	vst v3;
	v1 =	vld [tilespmem:s16+$0xFFFFFFF0];
	v5 =	vmul.f32 v5, v0  }
0x5b: {  	v6 =	vmul.f32 v6, v0;
	v3 =	vld [tilespmem:s16+$0x30];
	[tilespmem:s2+$0x60] =	vst v2  }
0x5c: {  	v2 =	vld [tilespmem:s16+$0x70];
	[tilespmem:s2+$0xA0] =	vst v5;
	v10 =	vmul.f32 v4, v0  }
0x5d: {  	[tilespmem:s2+$0xFFFFFF20] =	vst v6;
	v4 =	vld [tilespmem:s16+$0xB0];
	v7 =	vmul.f32 v9, v0  }
0x5e: {  	s14 =	simm.s32 $0x0;
	v5 =	vld [tilespmem:s16+$0xFFFFFF30];
	v6 =	vmul.f32 v8, v0;
	s16 =	simm.s32 $0x6700;
	[tilespmem:s2+$0xF0] =	vst v10  }
.LBB2_3:
0x5f: {  	v8 =	vld [tilespmem:s16+$0xC0];
	s14 =	sadd.s32 $0x8, s14;
	[tilespmem:s2+$0xFFFFFF70] =	vst v7;
	v1 =	vmul.f32 v1, v0  }
0x60: {  	v7 =	vld [tilespmem:s16+$0xFFFFFF40];
	p1 =	slt.u32 s14, $0x78;
	[tilespmem:s2+$0xFFFFFFB0] =	vst v6;
	v3 =	vmul.f32 v3, v0  }
0x61: {  	v6 =	vld [tilespmem:s16+$0xFFFFFF80];
	[tilespmem:s2+$0xFFFFFFF0] =	vst v1;
	v1 =	vmul.f32 v2, v0  }
0x62: {  	v2 =	vld [tilespmem:s16+$0xFFFFFFC0];
	[tilespmem:s2+$0x30] =	vst v3;
	v3 =	vmul.f32 v4, v0  }
0x63: {  	v4 =	vld [tilespmem:s16+$0x0];
	v5 =	vmul.f32 v5, v0;
	[tilespmem:s2+$0x70] =	vst v1  }
0x64: {  	v1 =	vld [tilespmem:s16+$0x40];
	v8 =	vmul.f32 v8, v0;
	[tilespmem:s2+$0xB0] =	vst v3  }
0x65: {  	v3 =	vmul.f32 v7, v0;
	v7 =	vld [tilespmem:s16+$0x80];
	[tilespmem:s2+$0xFFFFFF30] =	vst v5;
	s2 =	sadd.s32 $0x200, s2  }
0x66: {  	v5 =	vld [tilespmem:s16+$0xFFFFFF00];
	v6 =	vmul.f32 v6, v0;
	[tilespmem:s2+$0xC0] =	vst v8  }
0x67: {  	[tilespmem:s2+$0xFFFFFF40] =	vst v3;
	v2 =	vmul.f32 v2, v0;
	v3 =	vld [tilespmem:s16+$0xD0]  }
0x68: {  	v8 =	vld [tilespmem:s16+$0xFFFFFF50];
	[tilespmem:s2+$0xFFFFFF80] =	vst v6;
	v4 =	vmul.f32 v4, v0  }
0x69: {  	v6 =	vld [tilespmem:s16+$0xFFFFFF90];
	[tilespmem:s2+$0xFFFFFFC0] =	vst v2;
	v1 =	vmul.f32 v1, v0  }
0x6a: {  	v2 =	vld [tilespmem:s16+$0xFFFFFFD0];
	[tilespmem:s2+$0x0] =	vst v4;
	v4 =	vmul.f32 v7, v0  }
0x6b: {  	v5 =	vmul.f32 v5, v0;
	v7 =	vld [tilespmem:s16+$0x10];
	[tilespmem:s2+$0x40] =	vst v1  }
0x6c: {  	v1 =	vld [tilespmem:s16+$0x50];
	[tilespmem:s2+$0x80] =	vst v4;
	v3 =	vmul.f32 v3, v0  }
0x6d: {  	[tilespmem:s2+$0xFFFFFF00] =	vst v5;
	v4 =	vmul.f32 v8, v0;
	v5 =	vld [tilespmem:s16+$0x90]  }
0x6e: {  	v8 =	vld [tilespmem:s16+$0xFFFFFF10];
	v6 =	vmul.f32 v6, v0;
	[tilespmem:s2+$0xD0] =	vst v3  }
0x6f: {  	[tilespmem:s2+$0xFFFFFF50] =	vst v4;
	v2 =	vmul.f32 v2, v0;
	v3 =	vld [tilespmem:s16+$0xE0]  }
0x70: {  	v4 =	vld [tilespmem:s16+$0xFFFFFF60];
	[tilespmem:s2+$0xFFFFFF90] =	vst v6;
	v6 =	vmul.f32 v7, v0  }
0x71: {  	v7 =	vld [tilespmem:s16+$0xFFFFFFA0];
	[tilespmem:s2+$0xFFFFFFD0] =	vst v2;
	v1 =	vmul.f32 v1, v0  }
0x72: {  	v2 =	vld [tilespmem:s16+$0xFFFFFFE0];
	[tilespmem:s2+$0x10] =	vst v6;
	v5 =	vmul.f32 v5, v0  }
0x73: {  	v6 =	vmul.f32 v8, v0;
	v8 =	vld [tilespmem:s16+$0x20];
	[tilespmem:s2+$0x50] =	vst v1  }
0x74: {  	v1 =	vld [tilespmem:s16+$0x60];
	[tilespmem:s2+$0x90] =	vst v5;
	v3 =	vmul.f32 v3, v0  }
0x75: {  	[tilespmem:s2+$0xFFFFFF10] =	vst v6;
	v4 =	vmul.f32 v4, v0;
	v5 =	vld [tilespmem:s16+$0xA0]  }
0x76: {  	v6 =	vld [tilespmem:s16+$0xFFFFFF20];
	v7 =	vmul.f32 v7, v0;
	[tilespmem:s2+$0xE0] =	vst v3  }
0x77: {  	[tilespmem:s2+$0xFFFFFF60] =	vst v4;
	v2 =	vmul.f32 v2, v0;
	v4 =	vld [tilespmem:s16+$0xF0]  }
0x78: {  	v9 =	vld [tilespmem:s16+$0xFFFFFF70];
	[tilespmem:s2+$0xFFFFFFA0] =	vst v7;
	v3 =	vmul.f32 v8, v0  }
0x79: {  	v8 =	vld [tilespmem:s16+$0xFFFFFFB0];
	[tilespmem:s2+$0xFFFFFFE0] =	vst v2;
	v2 =	vmul.f32 v1, v0  }
.Ltmp2:
0x7a: {  	v1 =	vld [tilespmem:s16+$0xFFFFFFF0];
	[tilespmem:s2+$0x20] =	vst v3;
	v5 =	vmul.f32 v5, v0;
	(pc) =	sbr.rel @p1 .LBB2_3-.Ltmp2, $4  }
0x7b: {  	v6 =	vmul.f32 v6, v0;
	v3 =	vld [tilespmem:s16+$0x30];
	[tilespmem:s2+$0x60] =	vst v2  }
0x7c: {  	v2 =	vld [tilespmem:s16+$0x70];
	[tilespmem:s2+$0xA0] =	vst v5;
	v10 =	vmul.f32 v4, v0  }
0x7d: {  	[tilespmem:s2+$0xFFFFFF20] =	vst v6;
	v7 =	vmul.f32 v9, v0;
	v4 =	vld [tilespmem:s16+$0xB0]  }
0x7e: {  	v5 =	vld [tilespmem:s16+$0xFFFFFF30];
	v6 =	vmul.f32 v8, v0;
	[tilespmem:s2+$0xF0] =	vst v10;
	s16 =	sadd.s32 $0x200, s16  }
0x7f: {  	[tilespmem:s2+$0xFFFFFF70] =	vst v7;
	v1 =	vmul.f32 v1, v0  }
0x80: {  	[tilespmem:s2+$0xFFFFFFB0] =	vst v6;
	v3 =	vmul.f32 v3, v0  }
0x81: {  	s14 =	smul.u32 $0x280, s12;
	p1 =	sne.s32 s12, $0x27;
	[tilespmem:s2+$0xFFFFFFF0] =	vst v1;
	v1 =	vmul.f32 v2, v0  }
.Ltmp3:
0x82: {  	[tilespmem:s2+$0x30] =	vst v3;
	v2 =	vmul.f32 v4, v0;
	(pc) =	sbr.rel @p1 .LBB2_6-.Ltmp3, $4  }
0x83: {  	s16 =	sadd.s32 s3, s14;
	v3 =	vmul.f32 v5, v0;
	[tilespmem:s2+$0x70] =	vst v1  }
0x84: {  	s16 =	sshll.u32 s16, $0x4;
	[tilespmem:s2+$0xB0] =	vst v2  }
0x85: {  	s19 =	sadd.s32 s6, s16;
	[tilespmem:s2+$0xFFFFFF30] =	vst v3  }
0x86: {  	[hbm4b:s19+s25] =	stream.strided.scatter [tilespmem:s26], [sflag:$0x6], $0x2000, s15, s25, $0x38;
	[tilespmem:$0x1A410] =	vst v63  }
.Ltmp4:
0x87: {  	(pc) =	sbr.rel .LBB2_7-.Ltmp4, $4  }
0x88: {  	_ = 	snop  }
0x89: {  	_ =	swait.ge [sflag:s28], $0x2000  }
0x8a: {  	[sflag:s28] =	ssyncset.done $0x0  }
0x8b: {  	[sflag:s28] =	ssyncadd.s32 $0xFFFFE000  }
.LBB2_6:
0x8c: {  	s2 =	smul.u32 $0xA00, s12;
	_ =	sdelay $0x1  }
0x8d: {  	s2 =	sshra.s32 s2, $0x2  }
.Ltmp5:
0x8e: {  	s16 =	simm.s32 $0x6400;
	s2 =	sadd.s32 $0x280, s2;
	(pc) =	sbr.rel @p0 .LBB2_8-.Ltmp5, $4  }
0x8f: {  	[tilespmem:s16], [sflag:$0x1] =	stream.indirect.gather [hbm4b:s4+s15], $0x40, s2, s15, $0xb8;
	[tilespmem:$0x1A410] =	vst v63  }
0x90: {  	_ =	swait.ge [sflag:s28], $0x2000  }
0x91: {  	[sflag:s28] =	ssyncset.done $0x0  }
0x92: {  	[sflag:s28] =	ssyncadd.s32 $0xFFFFE000  }
.LBB2_7:
0x93: {  	_ =	swait.ge [sflag:s29], $0x2000  }
0x94: {  	[sflag:s29] =	ssyncset.done $0x0  }
0x95: {  	[sflag:s29] =	ssyncadd.s32 $0xFFFFE000  }
.LBB2_8:
0x96: {  	s17 =	simm.s32 $0x85F0  }
0x97: {  	v1 =	vld [tilespmem:s17+$0xFFFFFFD0]  }
0x98: {  	v2 =	vld [tilespmem:s17+$0xFFFFFE50]  }
0x99: {  	v3 =	vld [tilespmem:s17+$0xFFFFFE90]  }
0x9a: {  	v4 =	vld [tilespmem:s17+$0xFFFFFED0]  }
0x9b: {  	v5 =	vld [tilespmem:s17+$0xFFFFFF10]  }
0x9c: {  	v6 =	vld [tilespmem:s17+$0xFFFFFF50];
	v1 =	vmul.f32 v1, v0  }
0x9d: {  	s2 =	simm.s32 $0x125F0;
	v7 =	vld [tilespmem:s17+$0xFFFFFF90];
	v2 =	vmul.f32 v2, v0  }
0x9e: {  	v8 =	vld [tilespmem:s17+$0xFFFFFE10];
	v3 =	vmul.f32 v3, v0;
	[tilespmem:s2+$0xFFFFFFD0] =	vst v1  }
0x9f: {  	[tilespmem:s2+$0xFFFFFE50] =	vst v2;
	v1 =	vmul.f32 v4, v0;
	v2 =	vld [tilespmem:s17+$0xFFFFFFE0]  }
0xa0: {  	[tilespmem:s2+$0xFFFFFE90] =	vst v3;
	v3 =	vmul.f32 v5, v0;
	v4 =	vld [tilespmem:s17+$0xFFFFFE60]  }
0xa1: {  	v5 =	vld [tilespmem:s17+$0xFFFFFEA0];
	[tilespmem:s2+$0xFFFFFED0] =	vst v1;
	v1 =	vmul.f32 v6, v0  }
0xa2: {  	[tilespmem:s2+$0xFFFFFF10] =	vst v3;
	v3 =	vmul.f32 v7, v0;
	v6 =	vld [tilespmem:s17+$0xFFFFFEE0]  }
0xa3: {  	v7 =	vmul.f32 v8, v0;
	v8 =	vld [tilespmem:s17+$0xFFFFFF20];
	[tilespmem:s2+$0xFFFFFF50] =	vst v1  }
0xa4: {  	[tilespmem:s2+$0xFFFFFF90] =	vst v3;
	v1 =	vld [tilespmem:s17+$0xFFFFFF60];
	v2 =	vmul.f32 v2, v0  }
0xa5: {  	[tilespmem:s2+$0xFFFFFE10] =	vst v7;
	v3 =	vmul.f32 v4, v0;
	v4 =	vld [tilespmem:s17+$0xFFFFFFA0]  }
0xa6: {  	v7 =	vld [tilespmem:s17+$0xFFFFFE20];
	v5 =	vmul.f32 v5, v0;
	[tilespmem:s2+$0xFFFFFFE0] =	vst v2  }
0xa7: {  	[tilespmem:s2+$0xFFFFFE60] =	vst v3;
	v2 =	vmul.f32 v6, v0;
	v3 =	vld [tilespmem:s17+$0xFFFFFFF0]  }
0xa8: {  	[tilespmem:s2+$0xFFFFFEA0] =	vst v5;
	v5 =	vmul.f32 v8, v0;
	v6 =	vld [tilespmem:s17+$0xFFFFFE70]  }
0xa9: {  	v8 =	vld [tilespmem:s17+$0xFFFFFEB0];
	[tilespmem:s2+$0xFFFFFEE0] =	vst v2;
	v1 =	vmul.f32 v1, v0  }
0xaa: {  	[tilespmem:s2+$0xFFFFFF20] =	vst v5;
	v2 =	vld [tilespmem:s17+$0xFFFFFEF0];
	v4 =	vmul.f32 v4, v0  }
0xab: {  	v5 =	vmul.f32 v7, v0;
	v7 =	vld [tilespmem:s17+$0xFFFFFF30];
	[tilespmem:s2+$0xFFFFFF60] =	vst v1  }
0xac: {  	v1 =	vld [tilespmem:s17+$0xFFFFFF70];
	[tilespmem:s2+$0xFFFFFFA0] =	vst v4;
	v3 =	vmul.f32 v3, v0  }
0xad: {  	[tilespmem:s2+$0xFFFFFE20] =	vst v5;
	v4 =	vmul.f32 v6, v0;
	v5 =	vld [tilespmem:s17+$0xFFFFFFB0]  }
0xae: {  	v6 =	vld [tilespmem:s17+$0xFFFFFE30];
	v8 =	vmul.f32 v8, v0;
	[tilespmem:s2+$0xFFFFFFF0] =	vst v3  }
0xaf: {  	[tilespmem:s2+$0xFFFFFE70] =	vst v4;
	v2 =	vmul.f32 v2, v0;
	v4 =	vld [tilespmem:s17+$0x0]  }
0xb0: {  	[tilespmem:s2+$0xFFFFFEB0] =	vst v8;
	v3 =	vmul.f32 v7, v0;
	v9 =	vld [tilespmem:s17+$0xFFFFFE80]  }
0xb1: {  	v8 =	vld [tilespmem:s17+$0xFFFFFEC0];
	[tilespmem:s2+$0xFFFFFEF0] =	vst v2;
	v2 =	vmul.f32 v1, v0  }
0xb2: {  	[tilespmem:s2+$0xFFFFFF30] =	vst v3;
	v1 =	vld [tilespmem:s17+$0xFFFFFF00];
	v5 =	vmul.f32 v5, v0  }
0xb3: {  	v6 =	vmul.f32 v6, v0;
	v3 =	vld [tilespmem:s17+$0xFFFFFF40];
	[tilespmem:s2+$0xFFFFFF70] =	vst v2  }
0xb4: {  	v2 =	vld [tilespmem:s17+$0xFFFFFF80];
	[tilespmem:s2+$0xFFFFFFB0] =	vst v5;
	v10 =	vmul.f32 v4, v0  }
0xb5: {  	[tilespmem:s2+$0xFFFFFE30] =	vst v6;
	v4 =	vld [tilespmem:s17+$0xFFFFFFC0];
	v7 =	vmul.f32 v9, v0  }
0xb6: {  	s16 =	simm.s32 $0x0;
	v5 =	vld [tilespmem:s17+$0xFFFFFE40];
	v6 =	vmul.f32 v8, v0;
	s17 =	simm.s32 $0x87F0;
	[tilespmem:s2+$0x0] =	vst v10  }
.LBB2_9:
0xb7: {  	v8 =	vld [tilespmem:s17+$0xFFFFFFD0];
	s16 =	sadd.s32 $0x8, s16;
	[tilespmem:s2+$0xFFFFFE80] =	vst v7;
	v1 =	vmul.f32 v1, v0  }
0xb8: {  	v7 =	vld [tilespmem:s17+$0xFFFFFE50];
	p2 =	slt.u32 s16, $0x78;
	[tilespmem:s2+$0xFFFFFEC0] =	vst v6;
	v3 =	vmul.f32 v3, v0  }
0xb9: {  	v6 =	vld [tilespmem:s17+$0xFFFFFE90];
	[tilespmem:s2+$0xFFFFFF00] =	vst v1;
	v1 =	vmul.f32 v2, v0  }
0xba: {  	v2 =	vld [tilespmem:s17+$0xFFFFFED0];
	[tilespmem:s2+$0xFFFFFF40] =	vst v3;
	v3 =	vmul.f32 v4, v0  }
0xbb: {  	v4 =	vld [tilespmem:s17+$0xFFFFFF10];
	v5 =	vmul.f32 v5, v0;
	[tilespmem:s2+$0xFFFFFF80] =	vst v1  }
0xbc: {  	v1 =	vld [tilespmem:s17+$0xFFFFFF50];
	v8 =	vmul.f32 v8, v0;
	[tilespmem:s2+$0xFFFFFFC0] =	vst v3  }
0xbd: {  	v3 =	vmul.f32 v7, v0;
	v7 =	vld [tilespmem:s17+$0xFFFFFF90];
	[tilespmem:s2+$0xFFFFFE40] =	vst v5;
	s2 =	sadd.s32 $0x200, s2  }
0xbe: {  	v5 =	vld [tilespmem:s17+$0xFFFFFE10];
	v6 =	vmul.f32 v6, v0;
	[tilespmem:s2+$0xFFFFFFD0] =	vst v8  }
0xbf: {  	[tilespmem:s2+$0xFFFFFE50] =	vst v3;
	v2 =	vmul.f32 v2, v0;
	v3 =	vld [tilespmem:s17+$0xFFFFFFE0]  }
0xc0: {  	v8 =	vld [tilespmem:s17+$0xFFFFFE60];
	[tilespmem:s2+$0xFFFFFE90] =	vst v6;
	v4 =	vmul.f32 v4, v0  }
0xc1: {  	v6 =	vld [tilespmem:s17+$0xFFFFFEA0];
	[tilespmem:s2+$0xFFFFFED0] =	vst v2;
	v1 =	vmul.f32 v1, v0  }
0xc2: {  	v2 =	vld [tilespmem:s17+$0xFFFFFEE0];
	[tilespmem:s2+$0xFFFFFF10] =	vst v4;
	v4 =	vmul.f32 v7, v0  }
0xc3: {  	v5 =	vmul.f32 v5, v0;
	v7 =	vld [tilespmem:s17+$0xFFFFFF20];
	[tilespmem:s2+$0xFFFFFF50] =	vst v1  }
0xc4: {  	v1 =	vld [tilespmem:s17+$0xFFFFFF60];
	[tilespmem:s2+$0xFFFFFF90] =	vst v4;
	v3 =	vmul.f32 v3, v0  }
0xc5: {  	[tilespmem:s2+$0xFFFFFE10] =	vst v5;
	v4 =	vmul.f32 v8, v0;
	v5 =	vld [tilespmem:s17+$0xFFFFFFA0]  }
0xc6: {  	v8 =	vld [tilespmem:s17+$0xFFFFFE20];
	v6 =	vmul.f32 v6, v0;
	[tilespmem:s2+$0xFFFFFFE0] =	vst v3  }
0xc7: {  	[tilespmem:s2+$0xFFFFFE60] =	vst v4;
	v2 =	vmul.f32 v2, v0;
	v3 =	vld [tilespmem:s17+$0xFFFFFFF0]  }
0xc8: {  	v4 =	vld [tilespmem:s17+$0xFFFFFE70];
	[tilespmem:s2+$0xFFFFFEA0] =	vst v6;
	v6 =	vmul.f32 v7, v0  }
0xc9: {  	v7 =	vld [tilespmem:s17+$0xFFFFFEB0];
	[tilespmem:s2+$0xFFFFFEE0] =	vst v2;
	v1 =	vmul.f32 v1, v0  }
0xca: {  	v2 =	vld [tilespmem:s17+$0xFFFFFEF0];
	[tilespmem:s2+$0xFFFFFF20] =	vst v6;
	v5 =	vmul.f32 v5, v0  }
0xcb: {  	v6 =	vmul.f32 v8, v0;
	v8 =	vld [tilespmem:s17+$0xFFFFFF30];
	[tilespmem:s2+$0xFFFFFF60] =	vst v1  }
0xcc: {  	v1 =	vld [tilespmem:s17+$0xFFFFFF70];
	[tilespmem:s2+$0xFFFFFFA0] =	vst v5;
	v3 =	vmul.f32 v3, v0  }
0xcd: {  	[tilespmem:s2+$0xFFFFFE20] =	vst v6;
	v4 =	vmul.f32 v4, v0;
	v5 =	vld [tilespmem:s17+$0xFFFFFFB0]  }
0xce: {  	v6 =	vld [tilespmem:s17+$0xFFFFFE30];
	v7 =	vmul.f32 v7, v0;
	[tilespmem:s2+$0xFFFFFFF0] =	vst v3  }
0xcf: {  	[tilespmem:s2+$0xFFFFFE70] =	vst v4;
	v2 =	vmul.f32 v2, v0;
	v4 =	vld [tilespmem:s17+$0x0]  }
0xd0: {  	v9 =	vld [tilespmem:s17+$0xFFFFFE80];
	[tilespmem:s2+$0xFFFFFEB0] =	vst v7;
	v3 =	vmul.f32 v8, v0  }
0xd1: {  	v8 =	vld [tilespmem:s17+$0xFFFFFEC0];
	[tilespmem:s2+$0xFFFFFEF0] =	vst v2;
	v2 =	vmul.f32 v1, v0  }
.Ltmp6:
0xd2: {  	v1 =	vld [tilespmem:s17+$0xFFFFFF00];
	[tilespmem:s2+$0xFFFFFF30] =	vst v3;
	v5 =	vmul.f32 v5, v0;
	(pc) =	sbr.rel @p2 .LBB2_9-.Ltmp6, $4  }
0xd3: {  	v6 =	vmul.f32 v6, v0;
	v3 =	vld [tilespmem:s17+$0xFFFFFF40];
	[tilespmem:s2+$0xFFFFFF70] =	vst v2  }
0xd4: {  	v2 =	vld [tilespmem:s17+$0xFFFFFF80];
	[tilespmem:s2+$0xFFFFFFB0] =	vst v5;
	v10 =	vmul.f32 v4, v0  }
0xd5: {  	[tilespmem:s2+$0xFFFFFE30] =	vst v6;
	v7 =	vmul.f32 v9, v0;
	v4 =	vld [tilespmem:s17+$0xFFFFFFC0]  }
0xd6: {  	v5 =	vld [tilespmem:s17+$0xFFFFFE40];
	v6 =	vmul.f32 v8, v0;
	[tilespmem:s2+$0x0] =	vst v10;
	s17 =	sadd.s32 $0x200, s17  }
0xd7: {  	[tilespmem:s2+$0xFFFFFE80] =	vst v7;
	v1 =	vmul.f32 v1, v0  }
0xd8: {  	[tilespmem:s2+$0xFFFFFEC0] =	vst v6;
	v3 =	vmul.f32 v3, v0  }
0xd9: {  	[tilespmem:s2+$0xFFFFFF00] =	vst v1;
	v1 =	vmul.f32 v2, v0  }
.Ltmp7:
0xda: {  	s16 =	sadd.s32 s14, s8;
	[tilespmem:s2+$0xFFFFFF40] =	vst v3;
	v2 =	vmul.f32 v4, v0;
	(pc) =	sbr.rel @p1 .LBB2_12-.Ltmp7, $4  }
0xdb: {  	s16 =	sshll.u32 s16, $0x4;
	v3 =	vmul.f32 v5, v0;
	[tilespmem:s2+$0xFFFFFF80] =	vst v1  }
0xdc: {  	s16 =	sand.u32 $0x1FFFF800, s16;
	[tilespmem:s2+$0xFFFFFFC0] =	vst v2  }
0xdd: {  	s19 =	sadd.s32 s6, s16;
	[tilespmem:s2+$0xFFFFFE40] =	vst v3  }
0xde: {  	[hbm4b:s19+s25] =	stream.strided.scatter [tilespmem:s30], [sflag:$0x7], $0x2000, s15, s25, $0x38;
	[tilespmem:$0x1A410] =	vst v63  }
.Ltmp8:
0xdf: {  	(pc) =	sbr.rel .LBB2_13-.Ltmp8, $4  }
0xe0: {  	_ = 	snop  }
0xe1: {  	_ =	swait.ge [sflag:s31], $0x2000  }
0xe2: {  	[sflag:s31] =	ssyncset.done $0x0  }
0xe3: {  	[sflag:s31] =	ssyncadd.s32 $0xFFFFE000  }
.LBB2_12:
0xe4: {  	s2 =	smul.u32 $0xA00, s12;
	_ =	sdelay $0x1  }
0xe5: {  	s2 =	sshra.s32 s2, $0x2  }
.Ltmp9:
0xe6: {  	s16 =	simm.s32 $0x8400;
	s2 =	sadd.s32 $0x300, s2;
	(pc) =	sbr.rel @p0 .LBB2_14-.Ltmp9, $4  }
0xe7: {  	[tilespmem:s16], [sflag:$0x2] =	stream.indirect.gather [hbm4b:s4+s15], $0x40, s2, s15, $0xb8;
	[tilespmem:$0x1A410] =	vst v63  }
0xe8: {  	_ =	swait.ge [sflag:s31], $0x2000  }
0xe9: {  	[sflag:s31] =	ssyncset.done $0x0  }
0xea: {  	[sflag:s31] =	ssyncadd.s32 $0xFFFFE000  }
.LBB2_13:
0xeb: {  	_ =	swait.ge [sflag:s1], $0x2000  }
0xec: {  	[sflag:s1] =	ssyncset.done $0x0  }
0xed: {  	[sflag:s1] =	ssyncadd.s32 $0xFFFFE000  }
.LBB2_14:
0xee: {  	s2 =	simm.s32 $0x0  }
0xef: {  	v1 =	vld [tilespmem:s2+$0xA5F0]  }
0xf0: {  	v2 =	vld [tilespmem:s2+$0xA400]  }
0xf1: {  	v3 =	vld [tilespmem:s2+$0xA410]  }
0xf2: {  	v4 =	vld [tilespmem:s2+$0xA420]  }
0xf3: {  	v5 =	vld [tilespmem:s2+$0xA430]  }
0xf4: {  	v6 =	vld [tilespmem:s2+$0xA440];
	v1 =	vmul.f32 v1, v0  }
0xf5: {  	v7 =	vld [tilespmem:s2+$0xA450];
	v2 =	vmul.f32 v2, v0  }
0xf6: {  	v8 =	vld [tilespmem:s2+$0xA460];
	v3 =	vmul.f32 v3, v0;
	[tilespmem:s2+$0x145F0] =	vst v1  }
0xf7: {  	[tilespmem:s2+$0x14400] =	vst v2;
	v1 =	vmul.f32 v4, v0;
	v2 =	vld [tilespmem:s2+$0xA470]  }
0xf8: {  	[tilespmem:s2+$0x14410] =	vst v3;
	v3 =	vmul.f32 v5, v0;
	v4 =	vld [tilespmem:s2+$0xA480]  }
0xf9: {  	v5 =	vld [tilespmem:s2+$0xA490];
	[tilespmem:s2+$0x14420] =	vst v1;
	v1 =	vmul.f32 v6, v0  }
0xfa: {  	[tilespmem:s2+$0x14430] =	vst v3;
	v3 =	vmul.f32 v7, v0;
	v6 =	vld [tilespmem:s2+$0xA4A0]  }
0xfb: {  	v7 =	vld [tilespmem:s2+$0xA4B0];
	[tilespmem:s2+$0x14440] =	vst v1;
	v1 =	vmul.f32 v8, v0  }
0xfc: {  	[tilespmem:s2+$0x14450] =	vst v3;
	v3 =	vld [tilespmem:s2+$0xA4C0];
	v2 =	vmul.f32 v2, v0  }
0xfd: {  	[tilespmem:s2+$0x14460] =	vst v1;
	v1 =	vmul.f32 v4, v0;
	v4 =	vld [tilespmem:s2+$0xA4D0]  }
0xfe: {  	[tilespmem:s2+$0x14470] =	vst v2;
	v2 =	vmul.f32 v5, v0;
	v5 =	vld [tilespmem:s2+$0xA4E0]  }
0xff: {  	[tilespmem:s2+$0x14480] =	vst v1;
	v1 =	vmul.f32 v6, v0;
	v6 =	vld [tilespmem:s2+$0xA4F0]  }
0x100: {  	[tilespmem:s2+$0x14490] =	vst v2;
	v2 =	vmul.f32 v7, v0;
	v7 =	vld [tilespmem:s2+$0xA500]  }
0x101: {  	[tilespmem:s2+$0x144A0] =	vst v1;
	v1 =	vmul.f32 v3, v0;
	v3 =	vld [tilespmem:s2+$0xA510]  }
0x102: {  	[tilespmem:s2+$0x144B0] =	vst v2;
	v2 =	vmul.f32 v4, v0;
	v4 =	vld [tilespmem:s2+$0xA520]  }
0x103: {  	[tilespmem:s2+$0x144C0] =	vst v1;
	v1 =	vmul.f32 v5, v0;
	v5 =	vld [tilespmem:s2+$0xA530]  }
0x104: {  	[tilespmem:s2+$0x144D0] =	vst v2;
	v2 =	vmul.f32 v6, v0;
	v6 =	vld [tilespmem:s2+$0xA540]  }
0x105: {  	[tilespmem:s2+$0x144E0] =	vst v1;
	v1 =	vmul.f32 v7, v0;
	v7 =	vld [tilespmem:s2+$0xA550]  }
0x106: {  	[tilespmem:s2+$0x144F0] =	vst v2;
	v2 =	vmul.f32 v3, v0;
	v3 =	vld [tilespmem:s2+$0xA560]  }
0x107: {  	v8 =	vld [tilespmem:s2+$0xA570];
	[tilespmem:s2+$0x14500] =	vst v1;
	v1 =	vmul.f32 v4, v0  }
0x108: {  	[tilespmem:s2+$0x14510] =	vst v2;
	v2 =	vmul.f32 v5, v0;
	v5 =	vld [tilespmem:s2+$0xA580]  }
0x109: {  	v4 =	vld [tilespmem:s2+$0xA590];
	[tilespmem:s2+$0x14520] =	vst v1;
	v6 =	vmul.f32 v6, v0  }
0x10a: {  	v1 =	vld [tilespmem:s2+$0xA5A0];
	[tilespmem:s2+$0x14530] =	vst v2;
	v7 =	vmul.f32 v7, v0  }
0x10b: {  	v2 =	vld [tilespmem:s2+$0xA5B0];
	[tilespmem:s2+$0x14540] =	vst v6;
	v6 =	vmul.f32 v3, v0  }
0x10c: {  	v3 =	vld [tilespmem:s2+$0xA5C0];
	[tilespmem:s2+$0x14550] =	vst v7;
	v7 =	vmul.f32 v8, v0  }
0x10d: {  	s16 =	simm.s32 $0x0;
	s17 =	simm.s32 $0x800;
	[tilespmem:s2+$0x14560] =	vst v6;
	v6 =	vmul.f32 v5, v0;
	v5 =	vld [tilespmem:s2+$0xA5D0]  }
.LBB2_15:
0x10e: {  	s19 =	sshra.s32 s17, $0x2;
	s16 =	sadd.s32 $0x8, s16;
	[tilespmem:s2+$0x14570] =	vst v7;
	v4 =	vmul.f32 v4, v0;
	v7 =	vld [tilespmem:s2+$0xA5E0]  }
0x10f: {  	v8 =	vld [tilespmem:s19+$0xA5F0];
	p2 =	slt.u32 s16, $0x78;
	[tilespmem:s2+$0x14580] =	vst v6;
	v1 =	vmul.f32 v1, v0  }
0x110: {  	v6 =	vld [tilespmem:s19+$0xA400];
	[tilespmem:s2+$0x14590] =	vst v4;
	v2 =	vmul.f32 v2, v0  }
0x111: {  	v4 =	vld [tilespmem:s19+$0xA410];
	[tilespmem:s2+$0x145A0] =	vst v1;
	v1 =	vmul.f32 v3, v0  }
0x112: {  	v3 =	vld [tilespmem:s19+$0xA420];
	[tilespmem:s2+$0x145B0] =	vst v2;
	v2 =	vmul.f32 v5, v0  }
0x113: {  	v5 =	vld [tilespmem:s19+$0xA430];
	[tilespmem:s2+$0x145C0] =	vst v1;
	v1 =	vmul.f32 v7, v0  }
0x114: {  	v7 =	vld [tilespmem:s19+$0xA440];
	v8 =	vmul.f32 v8, v0;
	[tilespmem:s2+$0x145D0] =	vst v2  }
0x115: {  	v2 =	vmul.f32 v6, v0;
	v6 =	vld [tilespmem:s19+$0xA450];
	[tilespmem:s2+$0x145E0] =	vst v1;
	s2 =	smov.u32 s19  }
0x116: {  	v1 =	vmul.f32 v4, v0;
	v4 =	vld [tilespmem:s2+$0xA460];
	[tilespmem:s2+$0x145F0] =	vst v8  }
0x117: {  	[tilespmem:s2+$0x14400] =	vst v2;
	v2 =	vmul.f32 v3, v0;
	v3 =	vld [tilespmem:s2+$0xA470]  }
0x118: {  	[tilespmem:s2+$0x14410] =	vst v1;
	v1 =	vmul.f32 v5, v0;
	v5 =	vld [tilespmem:s2+$0xA480]  }
0x119: {  	[tilespmem:s2+$0x14420] =	vst v2;
	v2 =	vmul.f32 v7, v0;
	v7 =	vld [tilespmem:s2+$0xA490]  }
0x11a: {  	[tilespmem:s2+$0x14430] =	vst v1;
	v1 =	vmul.f32 v6, v0;
	v6 =	vld [tilespmem:s2+$0xA4A0]  }
0x11b: {  	[tilespmem:s2+$0x14440] =	vst v2;
	v2 =	vmul.f32 v4, v0;
	v4 =	vld [tilespmem:s2+$0xA4B0]  }
0x11c: {  	[tilespmem:s2+$0x14450] =	vst v1;
	v1 =	vmul.f32 v3, v0;
	v3 =	vld [tilespmem:s2+$0xA4C0]  }
0x11d: {  	[tilespmem:s2+$0x14460] =	vst v2;
	v2 =	vmul.f32 v5, v0;
	v5 =	vld [tilespmem:s2+$0xA4D0]  }
0x11e: {  	[tilespmem:s2+$0x14470] =	vst v1;
	v1 =	vmul.f32 v7, v0;
	v7 =	vld [tilespmem:s2+$0xA4E0]  }
0x11f: {  	[tilespmem:s2+$0x14480] =	vst v2;
	v2 =	vmul.f32 v6, v0;
	v6 =	vld [tilespmem:s2+$0xA4F0]  }
0x120: {  	[tilespmem:s2+$0x14490] =	vst v1;
	v1 =	vmul.f32 v4, v0;
	v4 =	vld [tilespmem:s2+$0xA500]  }
0x121: {  	[tilespmem:s2+$0x144A0] =	vst v2;
	v2 =	vmul.f32 v3, v0;
	v3 =	vld [tilespmem:s2+$0xA510]  }
0x122: {  	[tilespmem:s2+$0x144B0] =	vst v1;
	v1 =	vmul.f32 v5, v0;
	v5 =	vld [tilespmem:s2+$0xA520]  }
0x123: {  	[tilespmem:s2+$0x144C0] =	vst v2;
	v2 =	vmul.f32 v7, v0;
	v7 =	vld [tilespmem:s2+$0xA530]  }
0x124: {  	[tilespmem:s2+$0x144D0] =	vst v1;
	v1 =	vmul.f32 v6, v0;
	v6 =	vld [tilespmem:s2+$0xA540]  }
0x125: {  	[tilespmem:s2+$0x144E0] =	vst v2;
	v2 =	vmul.f32 v4, v0;
	v8 =	vld [tilespmem:s2+$0xA550]  }
0x126: {  	[tilespmem:s2+$0x144F0] =	vst v1;
	v1 =	vmul.f32 v3, v0;
	v3 =	vld [tilespmem:s2+$0xA560]  }
0x127: {  	[tilespmem:s2+$0x14500] =	vst v2;
	v2 =	vmul.f32 v5, v0;
	v5 =	vld [tilespmem:s2+$0xA570]  }
0x128: {  	[tilespmem:s2+$0x14510] =	vst v1;
	v1 =	vmul.f32 v7, v0;
	v9 =	vld [tilespmem:s2+$0xA580]  }
.Ltmp10:
0x129: {  	[tilespmem:s2+$0x14520] =	vst v2;
	v2 =	vmul.f32 v6, v0;
	v4 =	vld [tilespmem:s2+$0xA590];
	(pc) =	sbr.rel @p2 .LBB2_15-.Ltmp10, $4  }
0x12a: {  	[tilespmem:s2+$0x14530] =	vst v1;
	v6 =	vmul.f32 v8, v0;
	v1 =	vld [tilespmem:s2+$0xA5A0]  }
0x12b: {  	[tilespmem:s2+$0x14540] =	vst v2;
	v8 =	vmul.f32 v3, v0;
	v2 =	vld [tilespmem:s2+$0xA5B0]  }
0x12c: {  	[tilespmem:s2+$0x14550] =	vst v6;
	v7 =	vmul.f32 v5, v0;
	v3 =	vld [tilespmem:s2+$0xA5C0]  }
0x12d: {  	s17 =	sadd.s32 $0x800, s17;
	[tilespmem:s2+$0x14560] =	vst v8;
	v6 =	vmul.f32 v9, v0;
	v5 =	vld [tilespmem:s2+$0xA5D0]  }
0x12e: {  	[tilespmem:s2+$0x14570] =	vst v7;
	v4 =	vmul.f32 v4, v0;
	v63 =	vld [tilespmem:s2+$0xA5E0]  }
0x12f: {  	[tilespmem:s2+$0x14580] =	vst v6;
	v1 =	vmul.f32 v1, v0  }
0x130: {  	[tilespmem:s2+$0x14590] =	vst v4;
	v2 =	vmul.f32 v2, v0  }
0x131: {  	[tilespmem:s2+$0x145A0] =	vst v1;
	v1 =	vmul.f32 v3, v0  }
.Ltmp11:
0x132: {  	s16 =	sadd.s32 s14, s9;
	[tilespmem:s2+$0x145B0] =	vst v2;
	v2 =	vmul.f32 v5, v0;
	(pc) =	sbr.rel @p1 .LBB2_18-.Ltmp11, $4  }
0x133: {  	s16 =	sshll.u32 s16, $0x4;
	[tilespmem:s2+$0x145C0] =	vst v1;
	v1 =	vmul.f32 v63, v0  }
0x134: {  	s16 =	sand.u32 $0x1FFFF800, s16;
	[tilespmem:s2+$0x145D0] =	vst v2  }
0x135: {  	s19 =	sadd.s32 s6, s16;
	[tilespmem:s2+$0x145E0] =	vst v1  }
0x136: {  	[hbm4b:s19+s25] =	stream.strided.scatter [tilespmem:s0], [sflag:$0x8], $0x2000, s15, s25, $0x38;
	[tilespmem:$0x1A410] =	vst v63  }
.Ltmp12:
0x137: {  	(pc) =	sbr.rel .LBB2_19-.Ltmp12, $4  }
0x138: {  	_ = 	snop  }
0x139: {  	_ =	swait.ge [sflag:s13], $0x2000  }
0x13a: {  	[sflag:s13] =	ssyncset.done $0x0  }
0x13b: {  	[sflag:s13] =	ssyncadd.s32 $0xFFFFE000  }
.LBB2_18:
0x13c: {  	s2 =	smul.u32 $0xA00, s12;
	_ =	sdelay $0x1  }
0x13d: {  	s2 =	sshra.s32 s2, $0x2  }
.Ltmp13:
0x13e: {  	s16 =	simm.s32 $0xA400;
	s2 =	sadd.s32 $0x380, s2;
	(pc) =	sbr.rel @p0 .LBB2_20-.Ltmp13, $4  }
0x13f: {  	[tilespmem:s16], [sflag:$0x3] =	stream.indirect.gather [hbm4b:s4+s15], $0x40, s2, s15, $0xb8;
	[tilespmem:$0x1A410] =	vst v63  }
0x140: {  	_ =	swait.ge [sflag:s13], $0x2000  }
0x141: {  	[sflag:s13] =	ssyncset.done $0x0  }
0x142: {  	[sflag:s13] =	ssyncadd.s32 $0xFFFFE000  }
.LBB2_19:
0x143: {  	_ =	swait.ge [sflag:s18], $0x2000  }
0x144: {  	[sflag:s18] =	ssyncset.done $0x0  }
0x145: {  	[sflag:s18] =	ssyncadd.s32 $0xFFFFE000  }
.LBB2_20:
0x146: {  	s2 =	simm.s32 $0x0  }
0x147: {  	v1 =	vld [tilespmem:s2+$0xC5F0]  }
0x148: {  	v2 =	vld [tilespmem:s2+$0xC400]  }
0x149: {  	v3 =	vld [tilespmem:s2+$0xC410]  }
0x14a: {  	v4 =	vld [tilespmem:s2+$0xC420]  }
0x14b: {  	v5 =	vld [tilespmem:s2+$0xC430]  }
0x14c: {  	v6 =	vld [tilespmem:s2+$0xC440];
	v1 =	vmul.f32 v1, v0  }
0x14d: {  	v7 =	vld [tilespmem:s2+$0xC450];
	v2 =	vmul.f32 v2, v0  }
0x14e: {  	v8 =	vld [tilespmem:s2+$0xC460];
	v3 =	vmul.f32 v3, v0;
	[tilespmem:s2+$0x165F0] =	vst v1  }
0x14f: {  	[tilespmem:s2+$0x16400] =	vst v2;
	v1 =	vmul.f32 v4, v0;
	v2 =	vld [tilespmem:s2+$0xC470]  }
0x150: {  	[tilespmem:s2+$0x16410] =	vst v3;
	v3 =	vmul.f32 v5, v0;
	v4 =	vld [tilespmem:s2+$0xC480]  }
0x151: {  	v5 =	vld [tilespmem:s2+$0xC490];
	[tilespmem:s2+$0x16420] =	vst v1;
	v1 =	vmul.f32 v6, v0  }
0x152: {  	[tilespmem:s2+$0x16430] =	vst v3;
	v3 =	vmul.f32 v7, v0;
	v6 =	vld [tilespmem:s2+$0xC4A0]  }
0x153: {  	v7 =	vld [tilespmem:s2+$0xC4B0];
	[tilespmem:s2+$0x16440] =	vst v1;
	v1 =	vmul.f32 v8, v0  }
0x154: {  	[tilespmem:s2+$0x16450] =	vst v3;
	v3 =	vld [tilespmem:s2+$0xC4C0];
	v2 =	vmul.f32 v2, v0  }
0x155: {  	[tilespmem:s2+$0x16460] =	vst v1;
	v1 =	vmul.f32 v4, v0;
	v4 =	vld [tilespmem:s2+$0xC4D0]  }
0x156: {  	[tilespmem:s2+$0x16470] =	vst v2;
	v2 =	vmul.f32 v5, v0;
	v5 =	vld [tilespmem:s2+$0xC4E0]  }
0x157: {  	[tilespmem:s2+$0x16480] =	vst v1;
	v1 =	vmul.f32 v6, v0;
	v6 =	vld [tilespmem:s2+$0xC4F0]  }
0x158: {  	[tilespmem:s2+$0x16490] =	vst v2;
	v2 =	vmul.f32 v7, v0;
	v7 =	vld [tilespmem:s2+$0xC500]  }
0x159: {  	[tilespmem:s2+$0x164A0] =	vst v1;
	v1 =	vmul.f32 v3, v0;
	v3 =	vld [tilespmem:s2+$0xC510]  }
0x15a: {  	[tilespmem:s2+$0x164B0] =	vst v2;
	v2 =	vmul.f32 v4, v0;
	v4 =	vld [tilespmem:s2+$0xC520]  }
0x15b: {  	[tilespmem:s2+$0x164C0] =	vst v1;
	v1 =	vmul.f32 v5, v0;
	v5 =	vld [tilespmem:s2+$0xC530]  }
0x15c: {  	[tilespmem:s2+$0x164D0] =	vst v2;
	v2 =	vmul.f32 v6, v0;
	v6 =	vld [tilespmem:s2+$0xC540]  }
0x15d: {  	[tilespmem:s2+$0x164E0] =	vst v1;
	v1 =	vmul.f32 v7, v0;
	v7 =	vld [tilespmem:s2+$0xC550]  }
0x15e: {  	[tilespmem:s2+$0x164F0] =	vst v2;
	v2 =	vmul.f32 v3, v0;
	v3 =	vld [tilespmem:s2+$0xC560]  }
0x15f: {  	v8 =	vld [tilespmem:s2+$0xC570];
	[tilespmem:s2+$0x16500] =	vst v1;
	v1 =	vmul.f32 v4, v0  }
0x160: {  	[tilespmem:s2+$0x16510] =	vst v2;
	v2 =	vmul.f32 v5, v0;
	v5 =	vld [tilespmem:s2+$0xC580]  }
0x161: {  	v4 =	vld [tilespmem:s2+$0xC590];
	[tilespmem:s2+$0x16520] =	vst v1;
	v6 =	vmul.f32 v6, v0  }
0x162: {  	v1 =	vld [tilespmem:s2+$0xC5A0];
	[tilespmem:s2+$0x16530] =	vst v2;
	v7 =	vmul.f32 v7, v0  }
0x163: {  	v2 =	vld [tilespmem:s2+$0xC5B0];
	[tilespmem:s2+$0x16540] =	vst v6;
	v6 =	vmul.f32 v3, v0  }
0x164: {  	v3 =	vld [tilespmem:s2+$0xC5C0];
	[tilespmem:s2+$0x16550] =	vst v7;
	v7 =	vmul.f32 v8, v0  }
0x165: {  	s16 =	simm.s32 $0x0;
	s17 =	simm.s32 $0x800;
	[tilespmem:s2+$0x16560] =	vst v6;
	v6 =	vmul.f32 v5, v0;
	v5 =	vld [tilespmem:s2+$0xC5D0]  }
.LBB2_21:
0x166: {  	s19 =	sshra.s32 s17, $0x2;
	s16 =	sadd.s32 $0x8, s16;
	[tilespmem:s2+$0x16570] =	vst v7;
	v4 =	vmul.f32 v4, v0;
	v7 =	vld [tilespmem:s2+$0xC5E0]  }
0x167: {  	v8 =	vld [tilespmem:s19+$0xC5F0];
	p2 =	slt.u32 s16, $0x78;
	[tilespmem:s2+$0x16580] =	vst v6;
	v1 =	vmul.f32 v1, v0  }
0x168: {  	v6 =	vld [tilespmem:s19+$0xC400];
	[tilespmem:s2+$0x16590] =	vst v4;
	v2 =	vmul.f32 v2, v0  }
0x169: {  	v4 =	vld [tilespmem:s19+$0xC410];
	[tilespmem:s2+$0x165A0] =	vst v1;
	v1 =	vmul.f32 v3, v0  }
0x16a: {  	v3 =	vld [tilespmem:s19+$0xC420];
	[tilespmem:s2+$0x165B0] =	vst v2;
	v2 =	vmul.f32 v5, v0  }
0x16b: {  	v5 =	vld [tilespmem:s19+$0xC430];
	[tilespmem:s2+$0x165C0] =	vst v1;
	v1 =	vmul.f32 v7, v0  }
0x16c: {  	v7 =	vld [tilespmem:s19+$0xC440];
	v8 =	vmul.f32 v8, v0;
	[tilespmem:s2+$0x165D0] =	vst v2  }
0x16d: {  	v2 =	vmul.f32 v6, v0;
	v6 =	vld [tilespmem:s19+$0xC450];
	[tilespmem:s2+$0x165E0] =	vst v1;
	s2 =	smov.u32 s19  }
0x16e: {  	v1 =	vmul.f32 v4, v0;
	v4 =	vld [tilespmem:s2+$0xC460];
	[tilespmem:s2+$0x165F0] =	vst v8  }
0x16f: {  	[tilespmem:s2+$0x16400] =	vst v2;
	v2 =	vmul.f32 v3, v0;
	v3 =	vld [tilespmem:s2+$0xC470]  }
0x170: {  	[tilespmem:s2+$0x16410] =	vst v1;
	v1 =	vmul.f32 v5, v0;
	v5 =	vld [tilespmem:s2+$0xC480]  }
0x171: {  	[tilespmem:s2+$0x16420] =	vst v2;
	v2 =	vmul.f32 v7, v0;
	v7 =	vld [tilespmem:s2+$0xC490]  }
0x172: {  	[tilespmem:s2+$0x16430] =	vst v1;
	v1 =	vmul.f32 v6, v0;
	v6 =	vld [tilespmem:s2+$0xC4A0]  }
0x173: {  	[tilespmem:s2+$0x16440] =	vst v2;
	v2 =	vmul.f32 v4, v0;
	v4 =	vld [tilespmem:s2+$0xC4B0]  }
0x174: {  	[tilespmem:s2+$0x16450] =	vst v1;
	v1 =	vmul.f32 v3, v0;
	v3 =	vld [tilespmem:s2+$0xC4C0]  }
0x175: {  	[tilespmem:s2+$0x16460] =	vst v2;
	v2 =	vmul.f32 v5, v0;
	v5 =	vld [tilespmem:s2+$0xC4D0]  }
0x176: {  	[tilespmem:s2+$0x16470] =	vst v1;
	v1 =	vmul.f32 v7, v0;
	v7 =	vld [tilespmem:s2+$0xC4E0]  }
0x177: {  	[tilespmem:s2+$0x16480] =	vst v2;
	v2 =	vmul.f32 v6, v0;
	v6 =	vld [tilespmem:s2+$0xC4F0]  }
0x178: {  	[tilespmem:s2+$0x16490] =	vst v1;
	v1 =	vmul.f32 v4, v0;
	v4 =	vld [tilespmem:s2+$0xC500]  }
0x179: {  	[tilespmem:s2+$0x164A0] =	vst v2;
	v2 =	vmul.f32 v3, v0;
	v3 =	vld [tilespmem:s2+$0xC510]  }
0x17a: {  	[tilespmem:s2+$0x164B0] =	vst v1;
	v1 =	vmul.f32 v5, v0;
	v5 =	vld [tilespmem:s2+$0xC520]  }
0x17b: {  	[tilespmem:s2+$0x164C0] =	vst v2;
	v2 =	vmul.f32 v7, v0;
	v7 =	vld [tilespmem:s2+$0xC530]  }
0x17c: {  	[tilespmem:s2+$0x164D0] =	vst v1;
	v1 =	vmul.f32 v6, v0;
	v6 =	vld [tilespmem:s2+$0xC540]  }
0x17d: {  	[tilespmem:s2+$0x164E0] =	vst v2;
	v2 =	vmul.f32 v4, v0;
	v8 =	vld [tilespmem:s2+$0xC550]  }
0x17e: {  	[tilespmem:s2+$0x164F0] =	vst v1;
	v1 =	vmul.f32 v3, v0;
	v3 =	vld [tilespmem:s2+$0xC560]  }
0x17f: {  	[tilespmem:s2+$0x16500] =	vst v2;
	v2 =	vmul.f32 v5, v0;
	v5 =	vld [tilespmem:s2+$0xC570]  }
0x180: {  	[tilespmem:s2+$0x16510] =	vst v1;
	v1 =	vmul.f32 v7, v0;
	v9 =	vld [tilespmem:s2+$0xC580]  }
.Ltmp14:
0x181: {  	[tilespmem:s2+$0x16520] =	vst v2;
	v2 =	vmul.f32 v6, v0;
	v4 =	vld [tilespmem:s2+$0xC590];
	(pc) =	sbr.rel @p2 .LBB2_21-.Ltmp14, $4  }
0x182: {  	[tilespmem:s2+$0x16530] =	vst v1;
	v6 =	vmul.f32 v8, v0;
	v1 =	vld [tilespmem:s2+$0xC5A0]  }
0x183: {  	[tilespmem:s2+$0x16540] =	vst v2;
	v8 =	vmul.f32 v3, v0;
	v2 =	vld [tilespmem:s2+$0xC5B0]  }
0x184: {  	[tilespmem:s2+$0x16550] =	vst v6;
	v7 =	vmul.f32 v5, v0;
	v3 =	vld [tilespmem:s2+$0xC5C0]  }
0x185: {  	s17 =	sadd.s32 $0x800, s17;
	[tilespmem:s2+$0x16560] =	vst v8;
	v6 =	vmul.f32 v9, v0;
	v5 =	vld [tilespmem:s2+$0xC5D0]  }
0x186: {  	[tilespmem:s2+$0x16570] =	vst v7;
	v4 =	vmul.f32 v4, v0;
	v63 =	vld [tilespmem:s2+$0xC5E0]  }
0x187: {  	[tilespmem:s2+$0x16580] =	vst v6;
	v1 =	vmul.f32 v1, v0  }
0x188: {  	[tilespmem:s2+$0x16590] =	vst v4;
	v2 =	vmul.f32 v2, v0  }
0x189: {  	[tilespmem:s2+$0x165A0] =	vst v1;
	v1 =	vmul.f32 v3, v0  }
.Ltmp15:
0x18a: {  	s16 =	sadd.s32 s14, s10;
	[tilespmem:s2+$0x165B0] =	vst v2;
	v2 =	vmul.f32 v5, v0;
	(pc) =	sbr.rel @p1 .LBB2_24-.Ltmp15, $4  }
0x18b: {  	s16 =	sshll.u32 s16, $0x4;
	[tilespmem:s2+$0x165C0] =	vst v1;
	v1 =	vmul.f32 v63, v0  }
0x18c: {  	s16 =	sand.u32 $0x1FFFF800, s16;
	[tilespmem:s2+$0x165D0] =	vst v2  }
0x18d: {  	s19 =	sadd.s32 s6, s16;
	[tilespmem:s2+$0x165E0] =	vst v1  }
0x18e: {  	[hbm4b:s19+s25] =	stream.strided.scatter [tilespmem:s20], [sflag:$0x9], $0x2000, s15, s25, $0x38;
	[tilespmem:$0x1A410] =	vst v63  }
.Ltmp16:
0x18f: {  	(pc) =	sbr.rel .LBB2_25-.Ltmp16, $4  }
0x190: {  	_ = 	snop  }
0x191: {  	_ =	swait.ge [sflag:s22], $0x2000  }
0x192: {  	[sflag:s22] =	ssyncset.done $0x0  }
0x193: {  	[sflag:s22] =	ssyncadd.s32 $0xFFFFE000  }
.LBB2_24:
0x194: {  	s2 =	smul.u32 $0xA00, s12;
	_ =	sdelay $0x1  }
0x195: {  	s2 =	sshra.s32 s2, $0x2  }
.Ltmp17:
0x196: {  	s2 =	sadd.s32 $0x400, s2;
	(pc) =	sbr.rel @p0 .LBB2_26-.Ltmp17, $4  }
0x197: {  	[tilespmem:s21], [sflag:$0x4] =	stream.indirect.gather [hbm4b:s4+s15], $0x40, s2, s15, $0xb8;
	[tilespmem:$0x1A410] =	vst v63  }
0x198: {  	_ =	swait.ge [sflag:s22], $0x2000  }
0x199: {  	[sflag:s22] =	ssyncset.done $0x0  }
0x19a: {  	[sflag:s22] =	ssyncadd.s32 $0xFFFFE000  }
.LBB2_25:
0x19b: {  	_ =	swait.ge [sflag:s5], $0x2000  }
0x19c: {  	[sflag:s5] =	ssyncset.done $0x0  }
0x19d: {  	[sflag:s5] =	ssyncadd.s32 $0xFFFFE000  }
.LBB2_26:
0x19e: {  	s2 =	simm.s32 $0x0  }
0x19f: {  	v1 =	vld [tilespmem:s2+$0xE5F0]  }
0x1a0: {  	v2 =	vld [tilespmem:s2+$0xE400]  }
0x1a1: {  	v3 =	vld [tilespmem:s2+$0xE410]  }
0x1a2: {  	v4 =	vld [tilespmem:s2+$0xE420]  }
0x1a3: {  	v5 =	vld [tilespmem:s2+$0xE430]  }
0x1a4: {  	v6 =	vld [tilespmem:s2+$0xE440];
	v1 =	vmul.f32 v1, v0  }
0x1a5: {  	v7 =	vld [tilespmem:s2+$0xE450];
	v2 =	vmul.f32 v2, v0  }
0x1a6: {  	v8 =	vld [tilespmem:s2+$0xE460];
	v3 =	vmul.f32 v3, v0;
	[tilespmem:s2+$0x185F0] =	vst v1  }
0x1a7: {  	[tilespmem:s2+$0x18400] =	vst v2;
	v1 =	vmul.f32 v4, v0;
	v2 =	vld [tilespmem:s2+$0xE470]  }
0x1a8: {  	[tilespmem:s2+$0x18410] =	vst v3;
	v3 =	vmul.f32 v5, v0;
	v4 =	vld [tilespmem:s2+$0xE480]  }
0x1a9: {  	v5 =	vld [tilespmem:s2+$0xE490];
	[tilespmem:s2+$0x18420] =	vst v1;
	v1 =	vmul.f32 v6, v0  }
0x1aa: {  	[tilespmem:s2+$0x18430] =	vst v3;
	v3 =	vmul.f32 v7, v0;
	v6 =	vld [tilespmem:s2+$0xE4A0]  }
0x1ab: {  	v7 =	vld [tilespmem:s2+$0xE4B0];
	[tilespmem:s2+$0x18440] =	vst v1;
	v1 =	vmul.f32 v8, v0  }
0x1ac: {  	[tilespmem:s2+$0x18450] =	vst v3;
	v3 =	vld [tilespmem:s2+$0xE4C0];
	v2 =	vmul.f32 v2, v0  }
0x1ad: {  	[tilespmem:s2+$0x18460] =	vst v1;
	v1 =	vmul.f32 v4, v0;
	v4 =	vld [tilespmem:s2+$0xE4D0]  }
0x1ae: {  	[tilespmem:s2+$0x18470] =	vst v2;
	v2 =	vmul.f32 v5, v0;
	v5 =	vld [tilespmem:s2+$0xE4E0]  }
0x1af: {  	[tilespmem:s2+$0x18480] =	vst v1;
	v1 =	vmul.f32 v6, v0;
	v6 =	vld [tilespmem:s2+$0xE4F0]  }
0x1b0: {  	[tilespmem:s2+$0x18490] =	vst v2;
	v2 =	vmul.f32 v7, v0;
	v7 =	vld [tilespmem:s2+$0xE500]  }
0x1b1: {  	[tilespmem:s2+$0x184A0] =	vst v1;
	v1 =	vmul.f32 v3, v0;
	v3 =	vld [tilespmem:s2+$0xE510]  }
0x1b2: {  	[tilespmem:s2+$0x184B0] =	vst v2;
	v2 =	vmul.f32 v4, v0;
	v4 =	vld [tilespmem:s2+$0xE520]  }
0x1b3: {  	[tilespmem:s2+$0x184C0] =	vst v1;
	v1 =	vmul.f32 v5, v0;
	v5 =	vld [tilespmem:s2+$0xE530]  }
0x1b4: {  	[tilespmem:s2+$0x184D0] =	vst v2;
	v2 =	vmul.f32 v6, v0;
	v6 =	vld [tilespmem:s2+$0xE540]  }
0x1b5: {  	[tilespmem:s2+$0x184E0] =	vst v1;
	v1 =	vmul.f32 v7, v0;
	v7 =	vld [tilespmem:s2+$0xE550]  }
0x1b6: {  	[tilespmem:s2+$0x184F0] =	vst v2;
	v2 =	vmul.f32 v3, v0;
	v3 =	vld [tilespmem:s2+$0xE560]  }
0x1b7: {  	v8 =	vld [tilespmem:s2+$0xE570];
	[tilespmem:s2+$0x18500] =	vst v1;
	v1 =	vmul.f32 v4, v0  }
0x1b8: {  	[tilespmem:s2+$0x18510] =	vst v2;
	v2 =	vmul.f32 v5, v0;
	v5 =	vld [tilespmem:s2+$0xE580]  }
0x1b9: {  	v4 =	vld [tilespmem:s2+$0xE590];
	[tilespmem:s2+$0x18520] =	vst v1;
	v6 =	vmul.f32 v6, v0  }
0x1ba: {  	v1 =	vld [tilespmem:s2+$0xE5A0];
	[tilespmem:s2+$0x18530] =	vst v2;
	v7 =	vmul.f32 v7, v0  }
0x1bb: {  	v2 =	vld [tilespmem:s2+$0xE5B0];
	[tilespmem:s2+$0x18540] =	vst v6;
	v6 =	vmul.f32 v3, v0  }
0x1bc: {  	v3 =	vld [tilespmem:s2+$0xE5C0];
	[tilespmem:s2+$0x18550] =	vst v7;
	v7 =	vmul.f32 v8, v0  }
0x1bd: {  	s16 =	simm.s32 $0x0;
	s17 =	simm.s32 $0x800;
	[tilespmem:s2+$0x18560] =	vst v6;
	v6 =	vmul.f32 v5, v0;
	v5 =	vld [tilespmem:s2+$0xE5D0]  }
.LBB2_27:
0x1be: {  	s19 =	sshra.s32 s17, $0x2;
	s16 =	sadd.s32 $0x8, s16;
	[tilespmem:s2+$0x18570] =	vst v7;
	v4 =	vmul.f32 v4, v0;
	v7 =	vld [tilespmem:s2+$0xE5E0]  }
0x1bf: {  	v8 =	vld [tilespmem:s19+$0xE5F0];
	p0 =	slt.u32 s16, $0x78;
	[tilespmem:s2+$0x18580] =	vst v6;
	v1 =	vmul.f32 v1, v0  }
0x1c0: {  	v6 =	vld [tilespmem:s19+$0xE400];
	[tilespmem:s2+$0x18590] =	vst v4;
	v2 =	vmul.f32 v2, v0  }
0x1c1: {  	v4 =	vld [tilespmem:s19+$0xE410];
	[tilespmem:s2+$0x185A0] =	vst v1;
	v1 =	vmul.f32 v3, v0  }
0x1c2: {  	v3 =	vld [tilespmem:s19+$0xE420];
	[tilespmem:s2+$0x185B0] =	vst v2;
	v2 =	vmul.f32 v5, v0  }
0x1c3: {  	v5 =	vld [tilespmem:s19+$0xE430];
	[tilespmem:s2+$0x185C0] =	vst v1;
	v1 =	vmul.f32 v7, v0  }
0x1c4: {  	v7 =	vld [tilespmem:s19+$0xE440];
	v8 =	vmul.f32 v8, v0;
	[tilespmem:s2+$0x185D0] =	vst v2  }
0x1c5: {  	v2 =	vmul.f32 v6, v0;
	v6 =	vld [tilespmem:s19+$0xE450];
	[tilespmem:s2+$0x185E0] =	vst v1;
	s2 =	smov.u32 s19  }
0x1c6: {  	v1 =	vmul.f32 v4, v0;
	v4 =	vld [tilespmem:s2+$0xE460];
	[tilespmem:s2+$0x185F0] =	vst v8  }
0x1c7: {  	[tilespmem:s2+$0x18400] =	vst v2;
	v2 =	vmul.f32 v3, v0;
	v3 =	vld [tilespmem:s2+$0xE470]  }
0x1c8: {  	[tilespmem:s2+$0x18410] =	vst v1;
	v1 =	vmul.f32 v5, v0;
	v5 =	vld [tilespmem:s2+$0xE480]  }
0x1c9: {  	[tilespmem:s2+$0x18420] =	vst v2;
	v2 =	vmul.f32 v7, v0;
	v7 =	vld [tilespmem:s2+$0xE490]  }
0x1ca: {  	[tilespmem:s2+$0x18430] =	vst v1;
	v1 =	vmul.f32 v6, v0;
	v6 =	vld [tilespmem:s2+$0xE4A0]  }
0x1cb: {  	[tilespmem:s2+$0x18440] =	vst v2;
	v2 =	vmul.f32 v4, v0;
	v4 =	vld [tilespmem:s2+$0xE4B0]  }
0x1cc: {  	[tilespmem:s2+$0x18450] =	vst v1;
	v1 =	vmul.f32 v3, v0;
	v3 =	vld [tilespmem:s2+$0xE4C0]  }
0x1cd: {  	[tilespmem:s2+$0x18460] =	vst v2;
	v2 =	vmul.f32 v5, v0;
	v5 =	vld [tilespmem:s2+$0xE4D0]  }
0x1ce: {  	[tilespmem:s2+$0x18470] =	vst v1;
	v1 =	vmul.f32 v7, v0;
	v7 =	vld [tilespmem:s2+$0xE4E0]  }
0x1cf: {  	[tilespmem:s2+$0x18480] =	vst v2;
	v2 =	vmul.f32 v6, v0;
	v6 =	vld [tilespmem:s2+$0xE4F0]  }
0x1d0: {  	[tilespmem:s2+$0x18490] =	vst v1;
	v1 =	vmul.f32 v4, v0;
	v4 =	vld [tilespmem:s2+$0xE500]  }
0x1d1: {  	[tilespmem:s2+$0x184A0] =	vst v2;
	v2 =	vmul.f32 v3, v0;
	v3 =	vld [tilespmem:s2+$0xE510]  }
0x1d2: {  	[tilespmem:s2+$0x184B0] =	vst v1;
	v1 =	vmul.f32 v5, v0;
	v5 =	vld [tilespmem:s2+$0xE520]  }
0x1d3: {  	[tilespmem:s2+$0x184C0] =	vst v2;
	v2 =	vmul.f32 v7, v0;
	v7 =	vld [tilespmem:s2+$0xE530]  }
0x1d4: {  	[tilespmem:s2+$0x184D0] =	vst v1;
	v1 =	vmul.f32 v6, v0;
	v6 =	vld [tilespmem:s2+$0xE540]  }
0x1d5: {  	[tilespmem:s2+$0x184E0] =	vst v2;
	v2 =	vmul.f32 v4, v0;
	v8 =	vld [tilespmem:s2+$0xE550]  }
0x1d6: {  	[tilespmem:s2+$0x184F0] =	vst v1;
	v1 =	vmul.f32 v3, v0;
	v3 =	vld [tilespmem:s2+$0xE560]  }
0x1d7: {  	[tilespmem:s2+$0x18500] =	vst v2;
	v2 =	vmul.f32 v5, v0;
	v5 =	vld [tilespmem:s2+$0xE570]  }
0x1d8: {  	[tilespmem:s2+$0x18510] =	vst v1;
	v1 =	vmul.f32 v7, v0;
	v9 =	vld [tilespmem:s2+$0xE580]  }
.Ltmp18:
0x1d9: {  	[tilespmem:s2+$0x18520] =	vst v2;
	v2 =	vmul.f32 v6, v0;
	v4 =	vld [tilespmem:s2+$0xE590];
	(pc) =	sbr.rel @p0 .LBB2_27-.Ltmp18, $4  }
0x1da: {  	[tilespmem:s2+$0x18530] =	vst v1;
	v6 =	vmul.f32 v8, v0;
	v1 =	vld [tilespmem:s2+$0xE5A0]  }
0x1db: {  	[tilespmem:s2+$0x18540] =	vst v2;
	v8 =	vmul.f32 v3, v0;
	v2 =	vld [tilespmem:s2+$0xE5B0]  }
0x1dc: {  	[tilespmem:s2+$0x18550] =	vst v6;
	v7 =	vmul.f32 v5, v0;
	v3 =	vld [tilespmem:s2+$0xE5C0]  }
0x1dd: {  	s17 =	sadd.s32 $0x800, s17;
	[tilespmem:s2+$0x18560] =	vst v8;
	v6 =	vmul.f32 v9, v0;
	v5 =	vld [tilespmem:s2+$0xE5D0]  }
0x1de: {  	[tilespmem:s2+$0x18570] =	vst v7;
	v4 =	vmul.f32 v4, v0;
	v63 =	vld [tilespmem:s2+$0xE5E0]  }
0x1df: {  	[tilespmem:s2+$0x18580] =	vst v6;
	v1 =	vmul.f32 v1, v0  }
0x1e0: {  	[tilespmem:s2+$0x18590] =	vst v4;
	v2 =	vmul.f32 v2, v0  }
0x1e1: {  	p0 =	seq.s32 s12, $0x27;
	[tilespmem:s2+$0x185A0] =	vst v1;
	v1 =	vmul.f32 v3, v0  }
.Ltmp19:
0x1e2: {  	s14 =	sadd.s32 s14, s11;
	[tilespmem:s2+$0x185B0] =	vst v2;
	v2 =	vmul.f32 v5, v0;
	(pc) =	sbr.rel @p0 .LBB2_30-.Ltmp19, $4  }
0x1e3: {  	s14 =	sshll.u32 s14, $0x4;
	[tilespmem:s2+$0x185C0] =	vst v1;
	v1 =	vmul.f32 v63, v0  }
0x1e4: {  	s14 =	sand.u32 $0x1FFFF800, s14;
	[tilespmem:s2+$0x185D0] =	vst v2  }
0x1e5: {  	s19 =	sadd.s32 s6, s14;
	[tilespmem:s2+$0x185E0] =	vst v1  }
0x1e6: {  	[hbm4b:s19+s25] =	stream.strided.scatter [tilespmem:s7], [sflag:$0xA], $0x2000, s15, s25, $0x38;
	[tilespmem:$0x1A410] =	vst v63  }
0x1e7: {  	s2 =	smul.u32 $0xA00, s12  }
.Ltmp20:
0x1e8: {  	_ = 	snop;
	(pc) =	sbr.rel .LBB2_2-.Ltmp20, $4  }
0x1e9: {  	_ = 	snop  }
0x1ea: {  	s2 =	sshra.s32 s2, $0x2  }
0x1eb: {  	s12 =	sadd.s32 $0x1, s12;
	s2 =	sadd.s32 $0x480, s2  }
0x1ec: {  	[tilespmem:s23], [sflag:$0x5] =	stream.indirect.gather [hbm4b:s4+s15], $0x40, s2, s15, $0xb8;
	[tilespmem:$0x1A410] =	vst v63  }
.LBB2_31:
0x1ed: {  	_ =	sfence.sel $0x180000  }
0x1ee: {  	[bflag:$0x0] =	sbarrier.arrive $0xFFFF  }
0x1ef: {  	_ =	strace $0x90000047  }
0x1f0: {  	s0 =	stileid.u32;
	[bflag:$0x2] =	sbarrier.arrive $0xFFFF  }
0x1f1: {  	p0 =	sne.s32 s0, $0x0;
	s0 =	rddreg [dreg:$0x2]  }
0x1f2: {  	s0 =	sadd.s32 @!p0 $0x100000, s0  }
0x1f3: {  	[sflag:s0] =	ssyncadd.tile.s32 @!p0 $0x1;
	_ =	shalt  }
.Lfunc_end2:
_tile_overlayer_lowered:
.L_overlay_start_2:
0x1f4: {  	(tag) =	ssettag $0x2  }
0x1f5: {  	s0 =	rddreg [dreg:$0x0];
	s2 =	stileid.u32  }
0x1f6: {  	s1 =	rddreg [dreg:$0x1];
	p0 =	sne.s32 s2, $0x0  }
0x1f7: {  	s3 =	rddreg [dreg:$0x2];
	[bflag:$0x3] =	sbarrier.arrive $0xFFFF;
	s2 =	simm.s32 @!p0 $0x1C0B  }
0x1f8: {  	[timem:s3], [sflag:s2] =	dma.local @!p0 [hbm:s0], s1  }
0x1f9: {  	s0 =	simm.s32 @!p0 $0xB  }
0x1fa: {  	_ =	swait.ge @!p0 [sflag:s0], s1  }
0x1fb: {  	s1 =	ssub.s32 @!p0 $0x0, s1;
	[sflag:s0] =	ssyncset.done @!p0 $0x0  }
0x1fc: {  	[sflag:s0] =	ssyncadd.s32 @!p0 s1  }
0x1fd: {  	[bflag:$0x3] =	sbarrier.arrive $0xFFFF  }
0x1fe: {  	_ =	shalt  }

// kernel: sparse-core-data-format-call.cloned.1.call-start
scs
called_computation_lowered:
.L_overlay_start_0:
0x0: {  	s2 =	sld [smem:$0x3FD9]  }
0x1: {  	s3 =	sld [smem:$0x3FFE];
	_ =	sdelay $0x1  }
0x2: {  	s1 =	srdreg.scid  }
0x3: {  	s0 =	sand.u32 $0x1, s1  }
0x4: {  	s18 =	sshll.u32 s0, $0xA;
	s2 =	sadd.s32 s3, s2  }
0x5: {  	s2 =	sadd.s32 s2, s18  }
0x6: {  	[smem:$0x3FC6] =	sst s2  }
0x7: {  	_ = 	snop  }
0x8: {  	s2 =	sld [smem:$0x3FD0];
	(tm) =	ssettm $0x1  }
0x9: {  	s19 =	sld [smem:$0x3FFB];
	_ =	sdelay $0x3  }
0xa: {  	_ =	strace s19  }
0xb: {  	s3 =	sld [smem:$0x3FFC];
	_ =	sdelay $0x3  }
0xc: {  	_ =	strace s3  }
0xd: {  	s3 =	sld [smem:$0x3FFD];
	_ =	sdelay $0x3  }
0xe: {  	_ =	strace s3  }
0xf: {  	_ =	strace $0x8FFFFFFF  }
0x10: {  	s20 =	sld [smem:$0x3FDB];
	_ =	sdelay $0x1  }
0x11: {  	s4 =	simm.s32 $_scs_section_size  }
0x12: {  	s5 =	simm.s32 $_size__tile_overlayer_lowered;
	s6 =	simm.s32 $_tile_overlayer_lowered  }
0x13: {  	s23 =	simm.s32 $0x1BFF;
	s22 =	sshll.u32 s6, $0x1;
	s3 =	sadd.s32 s4, s20  }
0x14: {  	s7 =	simm.s32 $0x0;
	s21 =	sshll.u32 s5, $0x1;
	s5 =	sadd.s32 s22, s3  }
0x15: {  	[timem:s7], [sflag:s23] =	dma.local [hbm:s5], s21  }
0x16: {  	_ =	swait.ge [sflag:s23], s21  }
0x17: {  	s4 =	ssub.s32 $0x0, s21;
	[sflag:s23] =	ssyncset.done $0x0  }
0x18: {  	[sflag:s23] =	ssyncadd.s32 s4;
	_ =	sdelay $0x1  }
0x19: {  	s24 =	simm.s32 $0x1B8B  }
0x1a: {  	_ =	swait.ge [sflag:s24], $0x1  }
0x1b: {  	[sflag:s24] =	ssyncset.done $0x0  }
0x1c: {  	s26 =	simm.s32 $0x1B8E;
	s25 =	sld [smem:$0x3FFE];
	[sflag:s24] =	ssyncadd.s32 $0xFFFFFFFF  }
0x1d: {  	s27 =	simm.s32 $execute0_lowered;
	[smem:$0x3FD2] =	sst s26  }
0x1e: {  	s5 =	sshll.u32 s27, $0x1;
	_ =	strace $0x80000049;
	[dreg:$0x1] =	wrdreg $0xFFFFFFFF  }
0x1f: {  	s28 =	simm.s32 $_size_execute0_lowered;
	s3 =	sadd.s32 s3, s5;
	[dreg:$0x0] =	wrdreg $0x0  }
0x20: {  	s5 =	sshll.u32 s28, $0x1;
	[dreg:$0x2] =	wrdreg s3  }
0x21: {  	[dreg:$0x3] =	wrdreg s5  }
0x22: {  	[dreg:$0x4] =	wrdreg $0xC0  }
0x23: {  	_ =	task [dreg:s7], $0x5FFFF  }
0x24: {  	[dreg:$0x1] =	wrdreg $0xFFFFFFFF  }
0x25: {  	[dreg:$0x0] =	wrdreg $0x60  }
0x26: {  	[dreg:$0x2] =	wrdreg s25  }
0x27: {  	[dreg:$0x3] =	wrdreg s2  }
0x28: {  	[dreg:$0x4] =	wrdreg $0x9  }
0x29: {  	_ =	task.clear_ibuf [dreg:s7], $0x5FFFF;
	_ =	strace $0x90000049  }
0x2a: {  	s29 =	simm.s32 $0x9;
	_ =	strace $0x8000004B  }
0x2b: {  	_ =	swait.ge [sflag:s29], $0x1  }
0x2c: {  	[sflag:s29] =	ssyncadd.s32 $0xFFFFFFFF  }
0x2d: {  	_ =	strace $0x9000004B  }
0x2e: {  	_ =	sfence  }
0x2f: {  	s30 =	sld [smem:$0x0];
	_ =	sdelay $0x2  }
0x30: {  	s31 =	sshll.u32 s1, $0xD;
	s1 =	sshrl.u32 s1, $0x2  }
0x31: {  	s3 =	sand.u32 $0x4000, s31;
	s1 =	sadd.s32 s1, s30  }
0x32: {  	s0 =	sor.u32 s3, s0;
	s1 =	sshll.u32 s1, $0x11  }
0x33: {  	s0 =	sor.u32 s1, s0  }
0x34: {  	s0 =	sadd.s32 $0x8F2B, s0  }
0x35: {  	[sflag:s0] =	ssyncadd.remote.s32 $0x1  }
0x36: {  	_ =	sfence.sel $0xFFFF  }
0x37: {  	[dreg:$0x0] =	wrdreg $0xFFFFFFFF;
	(pc) =	sbr.abs _section_cstart, $3  }
0x38: {  	[dreg:$0x1] =	wrdreg $0xFFFFFFFF  }
0x39: {  	_ =	task.clear_ibuf [dreg:s7], $0x2FFFF;
	_ =	strace $0x9FFFFFFF  }
0x3a: {  	(tm) =	ssettm $0x7FFFFFFF  }
0x3b: {  	_ =	shalt  }
tec
execute0_lowered:
.L_overlay_start_1:
0x0: {  	(tag) =	ssettag $0x1  }
0x1: {  	s0 =	srdreg.scid  }
0x2: {  	s1 =	sshll.u32 s0, $0x4  }
0x3: {  	s0 =	stileid.u32;
	s1 =	sand.u32 $0x10, s1  }
0x4: {  	s1 =	sor.u32 s0, s1  }
0x5: {  	s6 =	rddreg [dreg:$0x0];
	s4 =	simm.s32 $0x1;
	s2 =	sshll.u32 s1, $0x7  }
0x6: {  	s7 =	simm.s32 $0x2;
	s12 =	simm.s32 $0x0;
	s1 =	ssub.s32 $0x1000, s2  }
0x7: {  	s8 =	simm.s32 $0x8000;
	s13 =	simm.s32 $0x0;
	s3 =	sand.u32 $0xF80, s1  }
0x8: {  	s9 =	simm.s32 $0x0;
	s5 =	sshrl.u32 s1, $0xC;
	p0 =	sne.s32 s3, $0x0  }
.Ltmp0:
0x9: {  	s1 =	rddreg [dreg:$0x2];
	s4 =	simm.s32 @!p0 $0x0;
	(pc) =	sbr.rel .LBB1_1-.Ltmp0, $4  }
0xa: {  	s11 =	simm.s32 $0x0;
	s3 =	rddreg [dreg:$0x1];
	s5 =	sadd.s32 s4, s5  }
0xb: {  	_ =	strace $0x8000004A;
	s4 =	simm.s32 $0x1;
	s5 =	smul.u32 $0xC8, s5  }
0xc: {  	s6 =	sadd.s32 $0xC00, s6;
	s10 =	smov.u32 s2;
	[sflag:s4] =	ssyncpa.u1 $0x0  }
0xd: {  	p0 =	por $0x0, $0x0;
	[sflag:s7] =	ssyncpa.u1 $0x0;
	s7 =	sor.u32 $0x1, s5  }
.LBB1_4:
0xe: {  	s16 =	sshll.u32 s13, $0x3;
	s17 =	sand.u32 $0x78, s13  }
0xf: {  	s30 =	sand.u32 $0x7E00, s13;
	s12 =	sshll.u32 s12, $0xF;
	s16 =	sand.u32 $0xC00, s16  }
0x10: {  	[tilespmem:s15+$0x810 ss:$0x81] =	vst.msk $0xffff, v2;
	s31 =	sand.u32 $0x7, s13;
	s16 =	sor.u32 s17, s16;
	s17 =	sadd.s32 s3, s30  }
0x11: {  	[tilespmem:s15+$0x1020 ss:$0x81] =	vst.msk $0xffff, v0;
	s13 =	sshll.u32 s31, $0x12;
	s12 =	sadd.s32 s12, s17;
	s16 =	sshrl.u32 s16, $0x3  }
0x12: {  	[tilespmem:s15+$0x0 ss:$0x81] =	vst.msk $0xffff, v1;
	s13 =	sor.u32 $0x400, s13;
	s12 =	sadd.s32 s16, s12  }
0x13: {  	[hbm4b:s12+s13] =	stream.strided.scatter [tilespmem:s14], [sflag:$0x2], $0x2000, s8, s13, $0x20;
	[tilespmem:$0x8080] =	vst v63  }
.LBB1_5:
0x14: {  	s14 =	sadd.s32 $0x1, s9  }
0x15: {  	s12 =	sadd.s32 $0x1000, s10;
	s16 =	smov.u32 s10;
	p2 =	sgt.s32 s14, $0xC7  }
0x16: {  	s16 =	smov.u32 @p2 s12  }
0x17: {  	s14 =	simm.s32 @p2 $0x0;
	p2 =	sgt.s32 s16, $0xFFF  }
0x18: {  	s16 =	smov.u32 @p2 s2;
	p2 =	sne.s32 s11, s7  }
.Ltmp1:
0x19: {  	p1 =	slt.u32 s11, $0x2;
	(pc) =	sbr.rel @!p2 .LBB1_6-.Ltmp1, $4  }
0x1a: {  	s15 =	simm.s32 @!p1 $0x2  }
0x1b: {  	s13 =	smov.u32 s10;
	p0 =	por !p0, !p0;
	_ =	swait.ge @!p1 [sflag:s15], $0x2000  }
0x1c: {  	s12 =	smov.u32 s9;
	[sflag:s15] =	ssyncset.done @!p1 $0x0;
	s9 =	smov.u32 s14  }
0x1d: {  	s11 =	sadd.s32 $0x1, s11;
	[sflag:s15] =	ssyncadd.s32 @!p1 $0xFFFFE000;
	s10 =	smov.u32 s16  }
.LBB1_1:
0x1e: {  	p1 =	sge.u32 s11, s5  }
0x1f: {  	s14 =	sand.u32 @!p1 $0x1FFFFFF, s9  }
0x20: {  	s15 =	smulhi.u32 @!p1 $0x147AE15, s14;
	_ =	sdelay $0x1  }
0x21: {  	s15 =	smul.u32 @!p1 $0xC8, s15  }
0x22: {  	s16 =	sxor.u32 @!p1 $0xFFFFFFFF, s11;
	s17 =	smul.u32 @!p1 $0xC80, s10  }
0x23: {  	s31 =	sadd.s32 $0xFFFFFFFF, s11;
	s16 =	sshll.u32 @!p1 s16, $0xD;
	s14 =	ssub.s32 @!p1 s14, s15  }
0x24: {  	s15 =	sand.u32 @!p1 $0x2000, s16;
	s16 =	sadd.s32 @!p1 s6, s17;
	s14 =	sshll.u32 @!p1 s14, $0x4  }
0x25: {  	s17 =	simm.s32 @!p1 $0x6400;
	s14 =	sadd.s32 @!p1 s14, s16;
	s16 =	simm.s32 @!p1 $0x40  }
0x26: {  	[tilespmem:s15], [sflag:$0x1] =	stream.strided.gather @!p1 [hbm4b:s14+s16], $0x2000, s17, s16, $0x38;
	[tilespmem:$0x8080] =	vst v63  }
0x27: {  	p1 =	sge.u32 s31, s5  }
.Ltmp2:
0x28: {  	_ = 	snop;
	(pc) =	sbr.rel @p1 .LBB1_5-.Ltmp2, $1  }
0x29: {  	_ =	sdelay $0x3  }
0x2a: {  	s14 =	simm.s32 $0x1  }
0x2b: {  	_ =	swait.ge [sflag:s4], $0x2000;
	s14 =	simm.s32 @!p0 $0x0  }
0x2c: {  	[sflag:s4] =	ssyncset.done $0x0;
	s15 =	sshll.u32 s14, $0xD  }
0x2d: {  	[sflag:s4] =	ssyncadd.s32 $0xFFFFE000;
	s18 =	sor.u32 $0x20, s15  }
0x2e: {  	s14 =	smul.u32 $0x8100, s14;
	v3 =	vld [tilespmem:s18+$0x10]  }
0x2f: {  	s30 =	sand.u32 $0x1, s11;
	v2 =	vld [tilespmem:s18+$0xFFFFFFF0]  }
0x30: {  	s15 =	smul.u32 $0x8100, s30;
	s14 =	sshrl.u32 s14, $0x2;
	v0 =	vld [tilespmem:s18+$0x0]  }
0x31: {  	v1 =	vld [tilespmem:s18+$0xFFFFFFE0];
	s16 =	sor.u32 $0x4000, s14  }
0x32: {  	s31 =	sshrl.u32 s15, $0x2;
	s15 =	sadd.s32 $0x0, s16  }
0x33: {  	s17 =	simm.s32 $0x4;
	s18 =	sadd.s32 $0x40, s18;
	s14 =	sor.u32 $0x4000, s31;
	[tilespmem:s15+$0x1830 ss:$0x81] =	vst.msk $0xffff, v3  }
.LBB1_3:
0x34: {  	v3 =	vld [tilespmem:s18+$0x10];
	p1 =	sne.s32 s17, $0x1FC;
	[tilespmem:s15+$0x810 ss:$0x81] =	vst.msk $0xffff, v2;
	s19 =	smov.u32 s17;
	s17 =	sadd.s32 $0x4, s17  }
.Ltmp3:
0x35: {  	v2 =	vld [tilespmem:s18+$0xFFFFFFF0];
	[tilespmem:s15+$0x1020 ss:$0x81] =	vst.msk $0xffff, v0;
	(pc) =	sbr.rel @p1 .LBB1_3-.Ltmp3, $4  }
0x36: {  	v0 =	vld [tilespmem:s18+$0x0];
	[tilespmem:s15+$0x0 ss:$0x81] =	vst.msk $0xffff, v1  }
0x37: {  	s15 =	sshra.s32 s19, $0x2;
	v1 =	vld [tilespmem:s18+$0xFFFFFFE0]  }
0x38: {  	s15 =	sadd.s32 s15, s16  }
0x39: {  	s18 =	sadd.s32 $0x40, s18;
	[tilespmem:s15+$0x1830 ss:$0x81] =	vst.msk $0xffff, v3  }
.Ltmp4:
0x3a: {  	_ = 	snop;
	(pc) =	sbr.rel .LBB1_4-.Ltmp4, $1  }
0x3b: {  	_ =	sdelay $0x3  }
.LBB1_6:
0x3c: {  	_ =	sfence.sel $0x180000  }
0x3d: {  	s2 =	simm.s32 $0x1;
	[bflag:$0x0] =	sbarrier.arrive $0xFFFF  }
0x3e: {  	s31 =	simm.s32 $0x2;
	[sflag:s2] =	ssyncpa.u1 $0x1  }
0x3f: {  	[sflag:s31] =	ssyncpa.u1 $0x1  }
0x40: {  	p0 =	sne.s32 s0, $0x0;
	_ =	strace $0x9000004A  }
0x41: {  	s0 =	sadd.s32 @!p0 $0x100000, s1;
	[bflag:$0x2] =	sbarrier.arrive $0xFFFF  }
0x42: {  	[sflag:s0] =	ssyncadd.tile.s32 @!p0 $0x1;
	_ =	shalt  }
.Lfunc_end1:
_tile_overlayer_lowered:
.L_overlay_start_2:
0x43: {  	(tag) =	ssettag $0x2  }
0x44: {  	s0 =	rddreg [dreg:$0x0];
	s2 =	stileid.u32  }
0x45: {  	s1 =	rddreg [dreg:$0x1];
	p0 =	sne.s32 s2, $0x0  }
0x46: {  	s3 =	rddreg [dreg:$0x2];
	[bflag:$0x3] =	sbarrier.arrive $0xFFFF;
	s2 =	simm.s32 @!p0 $0x1C01  }
0x47: {  	[timem:s3], [sflag:s2] =	dma.local @!p0 [hbm:s0], s1  }
0x48: {  	s0 =	simm.s32 @!p0 $0x1  }
0x49: {  	_ =	swait.ge @!p0 [sflag:s0], s1  }
0x4a: {  	s1 =	ssub.s32 @!p0 $0x0, s1;
	[sflag:s0] =	ssyncset.done @!p0 $0x0  }
0x4b: {  	[sflag:s0] =	ssyncadd.s32 @!p0 s1  }
0x4c: {  	[bflag:$0x3] =	sbarrier.arrive $0xFFFF  }
0x4d: {  	_ =	shalt  }

</sc_bundles>
